<compile_context>
chip_gen: v7x
topology: tpu7x:2x2x1
jax: 0.10.2.dev20260603
libtpu: 0.0.44.dev20260713+nightly
codegen_flags: <defaults>
</compile_context>

<pallas_src>
import functools

import jax
import jax.numpy as jnp
from jax import lax
from jax.experimental import pallas as pl
from jax.experimental.pallas import tpu as pltpu
from jax.experimental.pallas import tpu_sc as plsc

N = 10000
E = 320000
D = 128
R = 8
NB = 4
OUT = 64
K = R + 1
KD = K * D

NC = 2
NS = 16
NW = NC * NS
CH = 128
NBUF = 1
EPW = -(-E // NW)
C = -(-EPW // (CH * NBUF)) * NBUF
E_PAD = NW * C * CH
N_PAD = N + 112
BN = 1000



def _wprep_body(bases_ref, wcomp_ref, loop_ref, o_ref):
    def bf(v):
        return v.astype(jnp.bfloat16).astype(jnp.float32)

    for r in range(R):
        acc = bf(bases_ref[0]) * bf(wcomp_ref[r:r + 1, 0:1])
        for b in range(1, NB):
            acc = acc + bf(bases_ref[b]) * bf(wcomp_ref[r:r + 1, b:b + 1])
        o_ref[:, r * D:(r + 1) * D] = acc
    o_ref[:, R * D:] = loop_ref[...]


def _wprep(bases, wcomp, loop_w):
    return pl.pallas_call(
        _wprep_body,
        out_shape=jax.ShapeDtypeStruct((D, KD), jnp.float32),
    )(bases, wcomp, loop_w)


def _mm_body(x_ref, w_ref, o_ref):
    o_ref[...] = jnp.dot(x_ref[...], w_ref[...],
                         preferred_element_type=jnp.float32)


def _mm(x, w):
    return pl.pallas_call(
        _mm_body,
        grid=(N // BN,),
        in_specs=[
            pl.BlockSpec((BN, D), lambda i: (i, 0)),
            pl.BlockSpec((D, KD), lambda i: (0, 0)),
        ],
        out_specs=pl.BlockSpec((BN, KD), lambda i: (i, 0)),
        out_shape=jax.ShapeDtypeStruct((N, KD), jnp.float32),
    )(x, w)


def _comb_body(p_ref, sl_ref, b_ref, o_ref):
    o_ref[...] = jnp.maximum(
        p_ref[0] + p_ref[1] + sl_ref[...] + b_ref[...], 0.0)


def _combine(p, hall, b):
    return pl.pallas_call(
        _comb_body,
        grid=(N // BN,),
        in_specs=[
            pl.BlockSpec((2, BN, D), lambda i: (0, i, 0)),
            pl.BlockSpec((BN, D), lambda i: (i, R)),
            pl.BlockSpec((1, D), lambda i: (0, 0)),
        ],
        out_specs=pl.BlockSpec((BN, D), lambda i: (i, 0)),
        out_shape=jax.ShapeDtypeStruct((N, D), jnp.float32),
    )(p, hall, b.reshape(1, D))


def _final_body(p_ref, sl_ref, b_ref, wout_ref, bout_ref, h_ref, o_ref):
    h = jnp.maximum(p_ref[0] + p_ref[1] + sl_ref[...] + b_ref[...], 0.0)
    h_ref[...] = h
    o_ref[...] = jnp.dot(h, wout_ref[...],
                         preferred_element_type=jnp.float32) + bout_ref[...]


def _combine_final(p, hall, b, w_out, b_out):
    return pl.pallas_call(
        _final_body,
        grid=(N // BN,),
        in_specs=[
            pl.BlockSpec((2, BN, D), lambda i: (0, i, 0)),
            pl.BlockSpec((BN, D), lambda i: (i, R)),
            pl.BlockSpec((1, D), lambda i: (0, 0)),
            pl.BlockSpec((D, OUT), lambda i: (0, 0)),
            pl.BlockSpec((1, OUT), lambda i: (0, 0)),
        ],
        out_specs=[
            pl.BlockSpec((BN, D), lambda i: (i, 0)),
            pl.BlockSpec((BN, OUT), lambda i: (i, 0)),
        ],
        out_shape=[
            jax.ShapeDtypeStruct((N, D), jnp.float32),
            jax.ShapeDtypeStruct((N, OUT), jnp.float32),
        ],
    )(p, hall, b.reshape(1, D), w_out, b_out.reshape(1, OUT))



def _sc_body(table, gidx, didx, zeros, out, gi_v, di_v, rows_v, agg_sh, sem):
    c = lax.axis_index("c")
    s = lax.axis_index("s")
    wid = c * NS + s
    rpt = N_PAD // NS
    row0 = s * rpt
    pltpu.sync_copy(zeros.at[pl.ds(row0, rpt)], agg_sh.at[pl.ds(row0, rpt)])
    pltpu.sync_copy(gidx.at[wid], gi_v)
    pltpu.sync_copy(didx.at[wid], di_v)
    plsc.subcore_barrier()

    def body(j, carry):
        pltpu.async_copy(table.at[gi_v.at[j]], rows_v, sem).wait()
        pltpu.sync_copy(rows_v, agg_sh.at[di_v.at[j]], add=True)
        return carry

    lax.fori_loop(0, C, body, 0)
    plsc.subcore_barrier()
    pltpu.sync_copy(agg_sh.at[pl.ds(row0, rpt)],
                    out.at[c, pl.ds(row0, rpt)])


@functools.cache
def _sc_agg_build():
    return pl.kernel(
        _sc_body,
        out_type=jax.ShapeDtypeStruct((NC, N_PAD, D), jnp.float32),
        mesh=plsc.VectorSubcoreMesh(core_axis_name="c", subcore_axis_name="s",
                                    num_cores=NC, num_subcores=NS),
        scratch_types=[
            pltpu.VMEM((C, CH), jnp.int32),
            pltpu.VMEM((C, CH), jnp.int32),
            pltpu.VMEM((CH, D), jnp.float32),
            pltpu.VMEM_SHARED((N_PAD, D), jnp.float32),
            pltpu.SemaphoreType.DMA,
        ],
    )


def _sc_agg(table, gidx, didx, zeros):
    return _sc_agg_build()(table, gidx, didx, zeros)



def kernel(x, edge_index, etypes, bases1, wcomp1, loop_w1, b1,
           bases2, wcomp2, loop_w2, b2, W_out, b_out):
    src = edge_index[0].astype(jnp.int32)
    dst = edge_index[1].astype(jnp.int32)
    et = etypes.astype(jnp.int32)

    g = src * K + et
    pad = jnp.arange(E_PAD - E, dtype=jnp.int32)
    g = jnp.concatenate([g, pad % (N * K)])
    d = jnp.concatenate([dst, N + pad % (N_PAD - N)])
    gidx = g.reshape(NW, C, CH)
    didx = d.reshape(NW, C, CH)
    zeros = jnp.zeros((N_PAD, D), jnp.float32)

    w1 = _wprep(bases1, wcomp1, loop_w1)
    hall1 = _mm(x, w1)
    p1 = _sc_agg(hall1.reshape(N * K, D), gidx, didx, zeros)
    h1 = _combine(p1, hall1, b1)

    w2 = _wprep(bases2, wcomp2, loop_w2)
    hall2 = _mm(h1, w2)
    p2 = _sc_agg(hall2.reshape(N * K, D), gidx, didx, zeros)
    h2, out = _combine_final(p2, hall2, b2, W_out, b_out)
    return (out, h2)

# --- scband reference (transcript-rebuilt; emitter-appended) ---
"""Pipeline reference for scband-rgcn-7533372637993 (READ-ONLY COPY).

The authoritative reference and input builder live on the scoring server;
editing this copy changes nothing except your own understanding.
"""

import jax, jax.numpy as jnp
import numpy as np

N = 10000
E = 320000
D = 128
R = 8
NB = 4
OUT = 64


def setup_inputs(seed: int = 0) -> dict:
    key = jax.random.key(seed)
    ks = jax.random.split(key, 14)
    s = 1.0 / np.sqrt(D)
    inp = {}
    inp["x"] = jax.random.normal(ks[0], (N, D), dtype=jnp.float32)
    inp["edge_index"] = jax.random.randint(ks[1], (2, E), 0, N)
    inp["etypes"] = jax.random.randint(ks[2], (E,), 0, R)
    inp["bases1"] = jax.random.normal(ks[3], (NB, D, D), dtype=jnp.float32) * s
    inp["wcomp1"] = jax.random.normal(ks[4], (R, NB), dtype=jnp.float32) * (1.0 / np.sqrt(NB))
    inp["loop_w1"] = jax.random.normal(ks[5], (D, D), dtype=jnp.float32) * s
    inp["b1"] = jnp.zeros((D,), dtype=jnp.float32)
    inp["bases2"] = jax.random.normal(ks[6], (NB, D, D), dtype=jnp.float32) * s
    inp["wcomp2"] = jax.random.normal(ks[7], (R, NB), dtype=jnp.float32) * (1.0 / np.sqrt(NB))
    inp["loop_w2"] = jax.random.normal(ks[8], (D, D), dtype=jnp.float32) * s
    inp["b2"] = jnp.zeros((D,), dtype=jnp.float32)
    inp["W_out"] = jax.random.normal(ks[9], (D, OUT), dtype=jnp.float32) * s
    inp["b_out"] = jnp.zeros((OUT,), dtype=jnp.float32)
    return inp


def _rel_conv(x, src, dst, et, bases, wcomp, loop_w, b):
    # basis regularizer: W_r = sum_b wcomp[r, b] * bases[b]
    W = jnp.einsum('rb,bio->rio', wcomp, bases)            # [R, D, D]
    # low-memory formulation: precompute x @ W_r for all relations, then gather per edge
    h_all = jnp.einsum('ni,rio->nro', x, W)                # [N, R, D]
    msg = h_all[src, et]                                   # [E, D] gather by (src node, edge type)
    agg = jax.ops.segment_sum(msg, dst, num_segments=x.shape[0])  # scatter-add to dst
    h = agg + x @ loop_w + b                               # self-loop + bias (DGL defaults)
    return jax.nn.relu(h)


def reference(x, edge_index, etypes, bases1, wcomp1, loop_w1, b1, bases2, wcomp2, loop_w2, b2, W_out, b_out):
    src = edge_index[0]
    dst = edge_index[1]
    h = _rel_conv(x, src, dst, etypes, bases1, wcomp1, loop_w1, b1)
    h = _rel_conv(h, src, dst, etypes, bases2, wcomp2, loop_w2, b2)
    out = h @ W_out + b_out
    return (out, h)

if __name__ == "__main__":
    import jax
    _d = setup_inputs()
    print(jax.jit(kernel)(*tuple(_d.values())))

</pallas_src>

<mosaic_0001>
#map = affine_map<(d0, d1) -> (0, 0)>
#map1 = affine_map<(d0, d1) -> (0, 0, 0)>
module attributes {stable_mosaic.version = 14 : i64} {
  func.func @_sc_body(%arg0: i32, %arg1: i32, %arg2: memref<90000x128xf32, #tpu.memory_space<hbm>>, %arg3: memref<32x79x128xi32, #tpu.memory_space<hbm>>, %arg4: memref<32x79x128xi32, #tpu.memory_space<hbm>>, %arg5: memref<10112x128xf32, #tpu.memory_space<hbm>>, %arg6: memref<2x10112x128xf32, #tpu.memory_space<hbm>>, %arg7: memref<79x128xi32, #tpu.memory_space<vmem>>, %arg8: memref<79x128xi32, #tpu.memory_space<vmem>>, %arg9: memref<128x128xf32, #tpu.memory_space<vmem>>, %arg10: memref<10112x128xf32, #tpu.memory_space<vmem_shared>>, %arg11: memref<!tpu.dma_semaphore, #tpu.memory_space<semaphore_mem>>) attributes {dimension_semantics = [#tpu.dimension_semantics<core_parallel>, #tpu.dimension_semantics<subcore_parallel>], iteration_bounds = array<i64: 2, 16>, scalar_prefetch = 0 : i64, scratch_operands = 5 : i64, tpu.core_type = #tpu.core_type<sc_vector_subcore>, window_params = [{transform_indices = #map}, {transform_indices = #map1}, {transform_indices = #map1}, {transform_indices = #map}, {transform_indices = #map1}]} {
    %mul3A = arith.constant 16 : i32
    %mul3A_0 = arith.muli %arg0, %mul3A : i32
    %add3A = arith.addi %mul3A_0, %arg1 : i32
    %mul3A_1 = arith.constant 632 : i32
    %mul3A_2 = arith.muli %arg1, %mul3A_1 : i32
    "tpu.region"() ({
      %run_scoped3A = tpu.sem_alloc : memref<!tpu.dma_semaphore, #tpu.memory_space<semaphore_mem>>
      %dma_start3A = arith.constant 0 : i32
      %dma_start3A_9 = tpu.memref_slice %arg10[%mul3A_2, %dma_start3A] : memref<10112x128xf32, #tpu.memory_space<vmem_shared>> -> memref<632x128xf32, #tpu.memory_space<vmem_shared>>
      %dma_start3A_10 = arith.constant 0 : i32
      %dma_start3A_11 = tpu.memref_slice %arg5[%mul3A_2, %dma_start3A_10] : memref<10112x128xf32, #tpu.memory_space<hbm>> -> memref<632x128xf32, #tpu.memory_space<hbm>>
      tpu.enqueue_dma source(%dma_start3A_11 : memref<632x128xf32, #tpu.memory_space<hbm>>) target(%dma_start3A_9 : memref<632x128xf32, #tpu.memory_space<vmem_shared>>) target_semaphore(%run_scoped3A : memref<!tpu.dma_semaphore, #tpu.memory_space<semaphore_mem>>)
      %dma_wait3A = arith.constant 0 : i32
      %dma_wait3A_12 = tpu.memref_slice %arg10[%mul3A_2, %dma_wait3A] : memref<10112x128xf32, #tpu.memory_space<vmem_shared>> -> memref<632x128xf32, #tpu.memory_space<vmem_shared>>
      %dma_wait3A_13 = arith.constant 0 : i32
      %dma_wait3A_14 = tpu.memref_slice %arg5[%mul3A_2, %dma_wait3A_13] : memref<10112x128xf32, #tpu.memory_space<hbm>> -> memref<632x128xf32, #tpu.memory_space<hbm>>
      tpu.wait_dma2 semaphore(%run_scoped3A : memref<!tpu.dma_semaphore, #tpu.memory_space<semaphore_mem>>) src(%dma_wait3A_14 : memref<632x128xf32, #tpu.memory_space<hbm>>) dst(%dma_wait3A_12 : memref<632x128xf32, #tpu.memory_space<vmem_shared>>)
      tpu.yield
    }) : () -> ()
    "tpu.region"() ({
      %run_scoped3A = tpu.sem_alloc : memref<!tpu.dma_semaphore, #tpu.memory_space<semaphore_mem>>
      %dma_start3A = arith.constant 0 : i32
      %dma_start3A_9 = arith.constant 0 : i32
      %dma_start3A_10 = tpu.memref_slice %arg3[%add3A, %dma_start3A, %dma_start3A_9] : memref<32x79x128xi32, #tpu.memory_space<hbm>> -> memref<1x79x128xi32, #tpu.memory_space<hbm>>
      %dma_start3A_11 = tpu.memref_squeeze %dma_start3A_10 : memref<1x79x128xi32, #tpu.memory_space<hbm>> -> memref<79x128xi32, #tpu.memory_space<hbm>>
      %dma_start3A_12 = arith.constant 0 : i32
      %dma_start3A_13 = arith.constant 0 : i32
      %dma_start3A_14 = tpu.memref_slice %arg3[%add3A, %dma_start3A_12, %dma_start3A_13] : memref<32x79x128xi32, #tpu.memory_space<hbm>> -> memref<1x79x128xi32, #tpu.memory_space<hbm>>
      %dma_start3A_15 = tpu.memref_squeeze %dma_start3A_14 : memref<1x79x128xi32, #tpu.memory_space<hbm>> -> memref<79x128xi32, #tpu.memory_space<hbm>>
      tpu.enqueue_dma source(%dma_start3A_15 : memref<79x128xi32, #tpu.memory_space<hbm>>) target(%arg7 : memref<79x128xi32, #tpu.memory_space<vmem>>) target_semaphore(%run_scoped3A : memref<!tpu.dma_semaphore, #tpu.memory_space<semaphore_mem>>)
      %dma_wait3A = arith.constant 0 : i32
      %dma_wait3A_16 = arith.constant 0 : i32
      %dma_wait3A_17 = tpu.memref_slice %arg3[%add3A, %dma_wait3A, %dma_wait3A_16] : memref<32x79x128xi32, #tpu.memory_space<hbm>> -> memref<1x79x128xi32, #tpu.memory_space<hbm>>
      %dma_wait3A_18 = tpu.memref_squeeze %dma_wait3A_17 : memref<1x79x128xi32, #tpu.memory_space<hbm>> -> memref<79x128xi32, #tpu.memory_space<hbm>>
      %dma_wait3A_19 = arith.constant 0 : i32
      %dma_wait3A_20 = arith.constant 0 : i32
      %dma_wait3A_21 = tpu.memref_slice %arg3[%add3A, %dma_wait3A_19, %dma_wait3A_20] : memref<32x79x128xi32, #tpu.memory_space<hbm>> -> memref<1x79x128xi32, #tpu.memory_space<hbm>>
      %dma_wait3A_22 = tpu.memref_squeeze %dma_wait3A_21 : memref<1x79x128xi32, #tpu.memory_space<hbm>> -> memref<79x128xi32, #tpu.memory_space<hbm>>
      tpu.wait_dma2 semaphore(%run_scoped3A : memref<!tpu.dma_semaphore, #tpu.memory_space<semaphore_mem>>) src(%dma_wait3A_22 : memref<79x128xi32, #tpu.memory_space<hbm>>) dst(%arg7 : memref<79x128xi32, #tpu.memory_space<vmem>>)
      tpu.yield
    }) : () -> ()
    "tpu.region"() ({
      %run_scoped3A = tpu.sem_alloc : memref<!tpu.dma_semaphore, #tpu.memory_space<semaphore_mem>>
      %dma_start3A = arith.constant 0 : i32
      %dma_start3A_9 = arith.constant 0 : i32
      %dma_start3A_10 = tpu.memref_slice %arg4[%add3A, %dma_start3A, %dma_start3A_9] : memref<32x79x128xi32, #tpu.memory_space<hbm>> -> memref<1x79x128xi32, #tpu.memory_space<hbm>>
      %dma_start3A_11 = tpu.memref_squeeze %dma_start3A_10 : memref<1x79x128xi32, #tpu.memory_space<hbm>> -> memref<79x128xi32, #tpu.memory_space<hbm>>
      %dma_start3A_12 = arith.constant 0 : i32
      %dma_start3A_13 = arith.constant 0 : i32
      %dma_start3A_14 = tpu.memref_slice %arg4[%add3A, %dma_start3A_12, %dma_start3A_13] : memref<32x79x128xi32, #tpu.memory_space<hbm>> -> memref<1x79x128xi32, #tpu.memory_space<hbm>>
      %dma_start3A_15 = tpu.memref_squeeze %dma_start3A_14 : memref<1x79x128xi32, #tpu.memory_space<hbm>> -> memref<79x128xi32, #tpu.memory_space<hbm>>
      tpu.enqueue_dma source(%dma_start3A_15 : memref<79x128xi32, #tpu.memory_space<hbm>>) target(%arg8 : memref<79x128xi32, #tpu.memory_space<vmem>>) target_semaphore(%run_scoped3A : memref<!tpu.dma_semaphore, #tpu.memory_space<semaphore_mem>>)
      %dma_wait3A = arith.constant 0 : i32
      %dma_wait3A_16 = arith.constant 0 : i32
      %dma_wait3A_17 = tpu.memref_slice %arg4[%add3A, %dma_wait3A, %dma_wait3A_16] : memref<32x79x128xi32, #tpu.memory_space<hbm>> -> memref<1x79x128xi32, #tpu.memory_space<hbm>>
      %dma_wait3A_18 = tpu.memref_squeeze %dma_wait3A_17 : memref<1x79x128xi32, #tpu.memory_space<hbm>> -> memref<79x128xi32, #tpu.memory_space<hbm>>
      %dma_wait3A_19 = arith.constant 0 : i32
      %dma_wait3A_20 = arith.constant 0 : i32
      %dma_wait3A_21 = tpu.memref_slice %arg4[%add3A, %dma_wait3A_19, %dma_wait3A_20] : memref<32x79x128xi32, #tpu.memory_space<hbm>> -> memref<1x79x128xi32, #tpu.memory_space<hbm>>
      %dma_wait3A_22 = tpu.memref_squeeze %dma_wait3A_21 : memref<1x79x128xi32, #tpu.memory_space<hbm>> -> memref<79x128xi32, #tpu.memory_space<hbm>>
      tpu.wait_dma2 semaphore(%run_scoped3A : memref<!tpu.dma_semaphore, #tpu.memory_space<semaphore_mem>>) src(%dma_wait3A_22 : memref<79x128xi32, #tpu.memory_space<hbm>>) dst(%arg8 : memref<79x128xi32, #tpu.memory_space<vmem>>)
      tpu.yield
    }) : () -> ()
    %barrier3A = arith.constant 0 : index
    tpu.barrier barrier_id(%barrier3A)
    %scan3A = arith.constant 0 : i32
    %scan3A_3 = arith.constant 0 : i32
    %scan3A_4 = arith.constant 79 : i32
    %scan3A_5 = arith.addi %scan3A_3, %scan3A_4 : i32
    %scan3A_6 = arith.constant 1 : i32
    scf.for %scan3A_9 = %scan3A_3 to %scan3A_5 step %scan3A_6  : i32 {
      %dma_start3A = arith.constant 0 : i32
      %dma_start3A_10 = tpu.memref_slice %arg7[%scan3A_9, %dma_start3A] : memref<79x128xi32, #tpu.memory_space<vmem>> -> memref<1x128xi32, #tpu.memory_space<vmem>>
      %dma_start3A_11 = tpu.memref_squeeze %dma_start3A_10 : memref<1x128xi32, #tpu.memory_space<vmem>> -> memref<128xi32, #tpu.memory_space<vmem>>
      %dma_start3A_12 = arith.constant 0 : i32
      %dma_start3A_13 = arith.constant 0 : i32
      %dma_start3A_14 = tpu.memref_slice %arg2[%dma_start3A_12, %dma_start3A_13] : memref<90000x128xf32, #tpu.memory_space<hbm>> -> memref<90000x128xf32, #tpu.memory_space<hbm>>
      tpu.enqueue_indirect_dma source(%dma_start3A_14 : memref<90000x128xf32, #tpu.memory_space<hbm>>) target(%arg9 : memref<128x128xf32, #tpu.memory_space<vmem>>) offsets(%dma_start3A_11 : memref<128xi32, #tpu.memory_space<vmem>>) semaphore(%arg11 : memref<!tpu.dma_semaphore, #tpu.memory_space<semaphore_mem>>)
      %dma_wait3A = arith.constant 0 : i32
      %dma_wait3A_15 = tpu.memref_slice %arg7[%scan3A_9, %dma_wait3A] : memref<79x128xi32, #tpu.memory_space<vmem>> -> memref<1x128xi32, #tpu.memory_space<vmem>>
      %dma_wait3A_16 = tpu.memref_squeeze %dma_wait3A_15 : memref<1x128xi32, #tpu.memory_space<vmem>> -> memref<128xi32, #tpu.memory_space<vmem>>
      %dma_wait3A_17 = arith.constant 0 : i32
      %dma_wait3A_18 = arith.constant 0 : i32
      %dma_wait3A_19 = tpu.memref_slice %arg2[%dma_wait3A_17, %dma_wait3A_18] : memref<90000x128xf32, #tpu.memory_space<hbm>> -> memref<90000x128xf32, #tpu.memory_space<hbm>>
      tpu.wait_indirect_dma semaphore(%arg11 : memref<!tpu.dma_semaphore, #tpu.memory_space<semaphore_mem>>) src(%dma_wait3A_19 : memref<90000x128xf32, #tpu.memory_space<hbm>>) dst(%arg9 : memref<128x128xf32, #tpu.memory_space<vmem>>)
      "tpu.region"() ({
        %run_scoped3A = tpu.sem_alloc : memref<!tpu.dma_semaphore, #tpu.memory_space<semaphore_mem>>
        %dma_start3A_20 = arith.constant 0 : i32
        %dma_start3A_21 = tpu.memref_slice %arg8[%scan3A_9, %dma_start3A_20] : memref<79x128xi32, #tpu.memory_space<vmem>> -> memref<1x128xi32, #tpu.memory_space<vmem>>
        %dma_start3A_22 = tpu.memref_squeeze %dma_start3A_21 : memref<1x128xi32, #tpu.memory_space<vmem>> -> memref<128xi32, #tpu.memory_space<vmem>>
        %dma_start3A_23 = arith.constant 0 : i32
        %dma_start3A_24 = arith.constant 0 : i32
        %dma_start3A_25 = tpu.memref_slice %arg10[%dma_start3A_23, %dma_start3A_24] : memref<10112x128xf32, #tpu.memory_space<vmem_shared>> -> memref<10112x128xf32, #tpu.memory_space<vmem_shared>>
        tpu.enqueue_indirect_dma source(%arg9 : memref<128x128xf32, #tpu.memory_space<vmem>>) target(%dma_start3A_25 : memref<10112x128xf32, #tpu.memory_space<vmem_shared>>) offsets(%dma_start3A_22 : memref<128xi32, #tpu.memory_space<vmem>>) semaphore(%run_scoped3A : memref<!tpu.dma_semaphore, #tpu.memory_space<semaphore_mem>>) {add = true}
        %dma_wait3A_26 = arith.constant 0 : i32
        %dma_wait3A_27 = tpu.memref_slice %arg8[%scan3A_9, %dma_wait3A_26] : memref<79x128xi32, #tpu.memory_space<vmem>> -> memref<1x128xi32, #tpu.memory_space<vmem>>
        %dma_wait3A_28 = tpu.memref_squeeze %dma_wait3A_27 : memref<1x128xi32, #tpu.memory_space<vmem>> -> memref<128xi32, #tpu.memory_space<vmem>>
        %dma_wait3A_29 = arith.constant 0 : i32
        %dma_wait3A_30 = arith.constant 0 : i32
        %dma_wait3A_31 = tpu.memref_slice %arg10[%dma_wait3A_29, %dma_wait3A_30] : memref<10112x128xf32, #tpu.memory_space<vmem_shared>> -> memref<10112x128xf32, #tpu.memory_space<vmem_shared>>
        tpu.wait_indirect_dma semaphore(%run_scoped3A : memref<!tpu.dma_semaphore, #tpu.memory_space<semaphore_mem>>) src(%arg9 : memref<128x128xf32, #tpu.memory_space<vmem>>) dst(%dma_wait3A_31 : memref<10112x128xf32, #tpu.memory_space<vmem_shared>>)
        tpu.yield
      }) : () -> ()
    }
    %scan3A_7 = arith.constant 79 : i32
    %barrier3A_8 = arith.constant 0 : index
    tpu.barrier barrier_id(%barrier3A_8)
    "tpu.region"() ({
      %run_scoped3A = tpu.sem_alloc : memref<!tpu.dma_semaphore, #tpu.memory_space<semaphore_mem>>
      %dma_start3A = arith.constant 0 : i32
      %dma_start3A_9 = tpu.memref_slice %arg6[%arg0, %mul3A_2, %dma_start3A] : memref<2x10112x128xf32, #tpu.memory_space<hbm>> -> memref<1x632x128xf32, #tpu.memory_space<hbm>>
      %dma_start3A_10 = tpu.memref_squeeze %dma_start3A_9 : memref<1x632x128xf32, #tpu.memory_space<hbm>> -> memref<632x128xf32, #tpu.memory_space<hbm>>
      %dma_start3A_11 = arith.constant 0 : i32
      %dma_start3A_12 = tpu.memref_slice %arg10[%mul3A_2, %dma_start3A_11] : memref<10112x128xf32, #tpu.memory_space<vmem_shared>> -> memref<632x128xf32, #tpu.memory_space<vmem_shared>>
      tpu.enqueue_dma source(%dma_start3A_12 : memref<632x128xf32, #tpu.memory_space<vmem_shared>>) target(%dma_start3A_10 : memref<632x128xf32, #tpu.memory_space<hbm>>) target_semaphore(%run_scoped3A : memref<!tpu.dma_semaphore, #tpu.memory_space<semaphore_mem>>)
      %dma_wait3A = arith.constant 0 : i32
      %dma_wait3A_13 = tpu.memref_slice %arg6[%arg0, %mul3A_2, %dma_wait3A] : memref<2x10112x128xf32, #tpu.memory_space<hbm>> -> memref<1x632x128xf32, #tpu.memory_space<hbm>>
      %dma_wait3A_14 = tpu.memref_squeeze %dma_wait3A_13 : memref<1x632x128xf32, #tpu.memory_space<hbm>> -> memref<632x128xf32, #tpu.memory_space<hbm>>
      %dma_wait3A_15 = arith.constant 0 : i32
      %dma_wait3A_16 = tpu.memref_slice %arg10[%mul3A_2, %dma_wait3A_15] : memref<10112x128xf32, #tpu.memory_space<vmem_shared>> -> memref<632x128xf32, #tpu.memory_space<vmem_shared>>
      tpu.wait_dma2 semaphore(%run_scoped3A : memref<!tpu.dma_semaphore, #tpu.memory_space<semaphore_mem>>) src(%dma_wait3A_16 : memref<632x128xf32, #tpu.memory_space<vmem_shared>>) dst(%dma_wait3A_14 : memref<632x128xf32, #tpu.memory_space<hbm>>)
      tpu.yield
    }) : () -> ()
    return
  }
}

#map = affine_map<(d0, d1) -> (0, 0)>
#map1 = affine_map<(d0, d1) -> (0, 0, 0)>
module attributes {stable_mosaic.version = 14 : i64} {
  func.func @_sc_body(%arg0: i32, %arg1: i32, %arg2: memref<90000x128xf32, #tpu.memory_space<hbm>>, %arg3: memref<32x79x128xi32, #tpu.memory_space<hbm>>, %arg4: memref<32x79x128xi32, #tpu.memory_space<hbm>>, %arg5: memref<10112x128xf32, #tpu.memory_space<hbm>>, %arg6: memref<2x10112x128xf32, #tpu.memory_space<hbm>>, %arg7: memref<79x128xi32, #tpu.memory_space<vmem>>, %arg8: memref<79x128xi32, #tpu.memory_space<vmem>>, %arg9: memref<128x128xf32, #tpu.memory_space<vmem>>, %arg10: memref<10112x128xf32, #tpu.memory_space<vmem_shared>>, %arg11: memref<!tpu.dma_semaphore, #tpu.memory_space<semaphore_mem>>) attributes {dimension_semantics = [#tpu.dimension_semantics<core_parallel>, #tpu.dimension_semantics<subcore_parallel>], iteration_bounds = array<i64: 2, 16>, scalar_prefetch = 0 : i64, scratch_operands = 5 : i64, tpu.core_type = #tpu.core_type<sc_vector_subcore>, window_params = [{transform_indices = #map}, {transform_indices = #map1}, {transform_indices = #map1}, {transform_indices = #map}, {transform_indices = #map1}]} {
    %mul3A = arith.constant 16 : i32
    %mul3A_0 = arith.muli %arg0, %mul3A : i32
    %add3A = arith.addi %mul3A_0, %arg1 : i32
    %mul3A_1 = arith.constant 632 : i32
    %mul3A_2 = arith.muli %arg1, %mul3A_1 : i32
    "tpu.region"() ({
      %run_scoped3A = tpu.sem_alloc : memref<!tpu.dma_semaphore, #tpu.memory_space<semaphore_mem>>
      %dma_start3A = arith.constant 0 : i32
      %dma_start3A_9 = tpu.memref_slice %arg10[%mul3A_2, %dma_start3A] : memref<10112x128xf32, #tpu.memory_space<vmem_shared>> -> memref<632x128xf32, #tpu.memory_space<vmem_shared>>
      %dma_start3A_10 = arith.constant 0 : i32
      %dma_start3A_11 = tpu.memref_slice %arg5[%mul3A_2, %dma_start3A_10] : memref<10112x128xf32, #tpu.memory_space<hbm>> -> memref<632x128xf32, #tpu.memory_space<hbm>>
      tpu.enqueue_dma source(%dma_start3A_11 : memref<632x128xf32, #tpu.memory_space<hbm>>) target(%dma_start3A_9 : memref<632x128xf32, #tpu.memory_space<vmem_shared>>) target_semaphore(%run_scoped3A : memref<!tpu.dma_semaphore, #tpu.memory_space<semaphore_mem>>)
      %dma_wait3A = arith.constant 0 : i32
      %dma_wait3A_12 = tpu.memref_slice %arg10[%mul3A_2, %dma_wait3A] : memref<10112x128xf32, #tpu.memory_space<vmem_shared>> -> memref<632x128xf32, #tpu.memory_space<vmem_shared>>
      %dma_wait3A_13 = arith.constant 0 : i32
      %dma_wait3A_14 = tpu.memref_slice %arg5[%mul3A_2, %dma_wait3A_13] : memref<10112x128xf32, #tpu.memory_space<hbm>> -> memref<632x128xf32, #tpu.memory_space<hbm>>
      tpu.wait_dma2 semaphore(%run_scoped3A : memref<!tpu.dma_semaphore, #tpu.memory_space<semaphore_mem>>) src(%dma_wait3A_14 : memref<632x128xf32, #tpu.memory_space<hbm>>) dst(%dma_wait3A_12 : memref<632x128xf32, #tpu.memory_space<vmem_shared>>)
      tpu.yield
    }) : () -> ()
    "tpu.region"() ({
      %run_scoped3A = tpu.sem_alloc : memref<!tpu.dma_semaphore, #tpu.memory_space<semaphore_mem>>
      %dma_start3A = arith.constant 0 : i32
      %dma_start3A_9 = arith.constant 0 : i32
      %dma_start3A_10 = tpu.memref_slice %arg3[%add3A, %dma_start3A, %dma_start3A_9] : memref<32x79x128xi32, #tpu.memory_space<hbm>> -> memref<1x79x128xi32, #tpu.memory_space<hbm>>
      %dma_start3A_11 = tpu.memref_squeeze %dma_start3A_10 : memref<1x79x128xi32, #tpu.memory_space<hbm>> -> memref<79x128xi32, #tpu.memory_space<hbm>>
      %dma_start3A_12 = arith.constant 0 : i32
      %dma_start3A_13 = arith.constant 0 : i32
      %dma_start3A_14 = tpu.memref_slice %arg3[%add3A, %dma_start3A_12, %dma_start3A_13] : memref<32x79x128xi32, #tpu.memory_space<hbm>> -> memref<1x79x128xi32, #tpu.memory_space<hbm>>
      %dma_start3A_15 = tpu.memref_squeeze %dma_start3A_14 : memref<1x79x128xi32, #tpu.memory_space<hbm>> -> memref<79x128xi32, #tpu.memory_space<hbm>>
      tpu.enqueue_dma source(%dma_start3A_15 : memref<79x128xi32, #tpu.memory_space<hbm>>) target(%arg7 : memref<79x128xi32, #tpu.memory_space<vmem>>) target_semaphore(%run_scoped3A : memref<!tpu.dma_semaphore, #tpu.memory_space<semaphore_mem>>)
      %dma_wait3A = arith.constant 0 : i32
      %dma_wait3A_16 = arith.constant 0 : i32
      %dma_wait3A_17 = tpu.memref_slice %arg3[%add3A, %dma_wait3A, %dma_wait3A_16] : memref<32x79x128xi32, #tpu.memory_space<hbm>> -> memref<1x79x128xi32, #tpu.memory_space<hbm>>
      %dma_wait3A_18 = tpu.memref_squeeze %dma_wait3A_17 : memref<1x79x128xi32, #tpu.memory_space<hbm>> -> memref<79x128xi32, #tpu.memory_space<hbm>>
      %dma_wait3A_19 = arith.constant 0 : i32
      %dma_wait3A_20 = arith.constant 0 : i32
      %dma_wait3A_21 = tpu.memref_slice %arg3[%add3A, %dma_wait3A_19, %dma_wait3A_20] : memref<32x79x128xi32, #tpu.memory_space<hbm>> -> memref<1x79x128xi32, #tpu.memory_space<hbm>>
      %dma_wait3A_22 = tpu.memref_squeeze %dma_wait3A_21 : memref<1x79x128xi32, #tpu.memory_space<hbm>> -> memref<79x128xi32, #tpu.memory_space<hbm>>
      tpu.wait_dma2 semaphore(%run_scoped3A : memref<!tpu.dma_semaphore, #tpu.memory_space<semaphore_mem>>) src(%dma_wait3A_22 : memref<79x128xi32, #tpu.memory_space<hbm>>) dst(%arg7 : memref<79x128xi32, #tpu.memory_space<vmem>>)
      tpu.yield
    }) : () -> ()
    "tpu.region"() ({
      %run_scoped3A = tpu.sem_alloc : memref<!tpu.dma_semaphore, #tpu.memory_space<semaphore_mem>>
      %dma_start3A = arith.constant 0 : i32
      %dma_start3A_9 = arith.constant 0 : i32
      %dma_start3A_10 = tpu.memref_slice %arg4[%add3A, %dma_start3A, %dma_start3A_9] : memref<32x79x128xi32, #tpu.memory_space<hbm>> -> memref<1x79x128xi32, #tpu.memory_space<hbm>>
      %dma_start3A_11 = tpu.memref_squeeze %dma_start3A_10 : memref<1x79x128xi32, #tpu.memory_space<hbm>> -> memref<79x128xi32, #tpu.memory_space<hbm>>
      %dma_start3A_12 = arith.constant 0 : i32
      %dma_start3A_13 = arith.constant 0 : i32
      %dma_start3A_14 = tpu.memref_slice %arg4[%add3A, %dma_start3A_12, %dma_start3A_13] : memref<32x79x128xi32, #tpu.memory_space<hbm>> -> memref<1x79x128xi32, #tpu.memory_space<hbm>>
      %dma_start3A_15 = tpu.memref_squeeze %dma_start3A_14 : memref<1x79x128xi32, #tpu.memory_space<hbm>> -> memref<79x128xi32, #tpu.memory_space<hbm>>
      tpu.enqueue_dma source(%dma_start3A_15 : memref<79x128xi32, #tpu.memory_space<hbm>>) target(%arg8 : memref<79x128xi32, #tpu.memory_space<vmem>>) target_semaphore(%run_scoped3A : memref<!tpu.dma_semaphore, #tpu.memory_space<semaphore_mem>>)
      %dma_wait3A = arith.constant 0 : i32
      %dma_wait3A_16 = arith.constant 0 : i32
      %dma_wait3A_17 = tpu.memref_slice %arg4[%add3A, %dma_wait3A, %dma_wait3A_16] : memref<32x79x128xi32, #tpu.memory_space<hbm>> -> memref<1x79x128xi32, #tpu.memory_space<hbm>>
      %dma_wait3A_18 = tpu.memref_squeeze %dma_wait3A_17 : memref<1x79x128xi32, #tpu.memory_space<hbm>> -> memref<79x128xi32, #tpu.memory_space<hbm>>
      %dma_wait3A_19 = arith.constant 0 : i32
      %dma_wait3A_20 = arith.constant 0 : i32
      %dma_wait3A_21 = tpu.memref_slice %arg4[%add3A, %dma_wait3A_19, %dma_wait3A_20] : memref<32x79x128xi32, #tpu.memory_space<hbm>> -> memref<1x79x128xi32, #tpu.memory_space<hbm>>
      %dma_wait3A_22 = tpu.memref_squeeze %dma_wait3A_21 : memref<1x79x128xi32, #tpu.memory_space<hbm>> -> memref<79x128xi32, #tpu.memory_space<hbm>>
      tpu.wait_dma2 semaphore(%run_scoped3A : memref<!tpu.dma_semaphore, #tpu.memory_space<semaphore_mem>>) src(%dma_wait3A_22 : memref<79x128xi32, #tpu.memory_space<hbm>>) dst(%arg8 : memref<79x128xi32, #tpu.memory_space<vmem>>)
      tpu.yield
    }) : () -> ()
    %barrier3A = arith.constant 0 : index
    tpu.barrier barrier_id(%barrier3A)
    %scan3A = arith.constant 0 : i32
    %scan3A_3 = arith.constant 0 : i32
    %scan3A_4 = arith.constant 79 : i32
    %scan3A_5 = arith.addi %scan3A_3, %scan3A_4 : i32
    %scan3A_6 = arith.constant 1 : i32
    scf.for %scan3A_9 = %scan3A_3 to %scan3A_5 step %scan3A_6  : i32 {
      %dma_start3A = arith.constant 0 : i32
      %dma_start3A_10 = tpu.memref_slice %arg7[%scan3A_9, %dma_start3A] : memref<79x128xi32, #tpu.memory_space<vmem>> -> memref<1x128xi32, #tpu.memory_space<vmem>>
      %dma_start3A_11 = tpu.memref_squeeze %dma_start3A_10 : memref<1x128xi32, #tpu.memory_space<vmem>> -> memref<128xi32, #tpu.memory_space<vmem>>
      %dma_start3A_12 = arith.constant 0 : i32
      %dma_start3A_13 = arith.constant 0 : i32
      %dma_start3A_14 = tpu.memref_slice %arg2[%dma_start3A_12, %dma_start3A_13] : memref<90000x128xf32, #tpu.memory_space<hbm>> -> memref<90000x128xf32, #tpu.memory_space<hbm>>
      tpu.enqueue_indirect_dma source(%dma_start3A_14 : memref<90000x128xf32, #tpu.memory_space<hbm>>) target(%arg9 : memref<128x128xf32, #tpu.memory_space<vmem>>) offsets(%dma_start3A_11 : memref<128xi32, #tpu.memory_space<vmem>>) semaphore(%arg11 : memref<!tpu.dma_semaphore, #tpu.memory_space<semaphore_mem>>)
      %dma_wait3A = arith.constant 0 : i32
      %dma_wait3A_15 = tpu.memref_slice %arg7[%scan3A_9, %dma_wait3A] : memref<79x128xi32, #tpu.memory_space<vmem>> -> memref<1x128xi32, #tpu.memory_space<vmem>>
      %dma_wait3A_16 = tpu.memref_squeeze %dma_wait3A_15 : memref<1x128xi32, #tpu.memory_space<vmem>> -> memref<128xi32, #tpu.memory_space<vmem>>
      %dma_wait3A_17 = arith.constant 0 : i32
      %dma_wait3A_18 = arith.constant 0 : i32
      %dma_wait3A_19 = tpu.memref_slice %arg2[%dma_wait3A_17, %dma_wait3A_18] : memref<90000x128xf32, #tpu.memory_space<hbm>> -> memref<90000x128xf32, #tpu.memory_space<hbm>>
      tpu.wait_indirect_dma semaphore(%arg11 : memref<!tpu.dma_semaphore, #tpu.memory_space<semaphore_mem>>) src(%dma_wait3A_19 : memref<90000x128xf32, #tpu.memory_space<hbm>>) dst(%arg9 : memref<128x128xf32, #tpu.memory_space<vmem>>)
      "tpu.region"() ({
        %run_scoped3A = tpu.sem_alloc : memref<!tpu.dma_semaphore, #tpu.memory_space<semaphore_mem>>
        %dma_start3A_20 = arith.constant 0 : i32
        %dma_start3A_21 = tpu.memref_slice %arg8[%scan3A_9, %dma_start3A_20] : memref<79x128xi32, #tpu.memory_space<vmem>> -> memref<1x128xi32, #tpu.memory_space<vmem>>
        %dma_start3A_22 = tpu.memref_squeeze %dma_start3A_21 : memref<1x128xi32, #tpu.memory_space<vmem>> -> memref<128xi32, #tpu.memory_space<vmem>>
        %dma_start3A_23 = arith.constant 0 : i32
        %dma_start3A_24 = arith.constant 0 : i32
        %dma_start3A_25 = tpu.memref_slice %arg10[%dma_start3A_23, %dma_start3A_24] : memref<10112x128xf32, #tpu.memory_space<vmem_shared>> -> memref<10112x128xf32, #tpu.memory_space<vmem_shared>>
        tpu.enqueue_indirect_dma source(%arg9 : memref<128x128xf32, #tpu.memory_space<vmem>>) target(%dma_start3A_25 : memref<10112x128xf32, #tpu.memory_space<vmem_shared>>) offsets(%dma_start3A_22 : memref<128xi32, #tpu.memory_space<vmem>>) semaphore(%run_scoped3A : memref<!tpu.dma_semaphore, #tpu.memory_space<semaphore_mem>>) {add = true}
        %dma_wait3A_26 = arith.constant 0 : i32
        %dma_wait3A_27 = tpu.memref_slice %arg8[%scan3A_9, %dma_wait3A_26] : memref<79x128xi32, #tpu.memory_space<vmem>> -> memref<1x128xi32, #tpu.memory_space<vmem>>
        %dma_wait3A_28 = tpu.memref_squeeze %dma_wait3A_27 : memref<1x128xi32, #tpu.memory_space<vmem>> -> memref<128xi32, #tpu.memory_space<vmem>>
        %dma_wait3A_29 = arith.constant 0 : i32
        %dma_wait3A_30 = arith.constant 0 : i32
        %dma_wait3A_31 = tpu.memref_slice %arg10[%dma_wait3A_29, %dma_wait3A_30] : memref<10112x128xf32, #tpu.memory_space<vmem_shared>> -> memref<10112x128xf32, #tpu.memory_space<vmem_shared>>
        tpu.wait_indirect_dma semaphore(%run_scoped3A : memref<!tpu.dma_semaphore, #tpu.memory_space<semaphore_mem>>) src(%arg9 : memref<128x128xf32, #tpu.memory_space<vmem>>) dst(%dma_wait3A_31 : memref<10112x128xf32, #tpu.memory_space<vmem_shared>>)
        tpu.yield
      }) : () -> ()
    }
    %scan3A_7 = arith.constant 79 : i32
    %barrier3A_8 = arith.constant 0 : index
    tpu.barrier barrier_id(%barrier3A_8)
    "tpu.region"() ({
      %run_scoped3A = tpu.sem_alloc : memref<!tpu.dma_semaphore, #tpu.memory_space<semaphore_mem>>
      %dma_start3A = arith.constant 0 : i32
      %dma_start3A_9 = tpu.memref_slice %arg6[%arg0, %mul3A_2, %dma_start3A] : memref<2x10112x128xf32, #tpu.memory_space<hbm>> -> memref<1x632x128xf32, #tpu.memory_space<hbm>>
      %dma_start3A_10 = tpu.memref_squeeze %dma_start3A_9 : memref<1x632x128xf32, #tpu.memory_space<hbm>> -> memref<632x128xf32, #tpu.memory_space<hbm>>
      %dma_start3A_11 = arith.constant 0 : i32
      %dma_start3A_12 = tpu.memref_slice %arg10[%mul3A_2, %dma_start3A_11] : memref<10112x128xf32, #tpu.memory_space<vmem_shared>> -> memref<632x128xf32, #tpu.memory_space<vmem_shared>>
      tpu.enqueue_dma source(%dma_start3A_12 : memref<632x128xf32, #tpu.memory_space<vmem_shared>>) target(%dma_start3A_10 : memref<632x128xf32, #tpu.memory_space<hbm>>) target_semaphore(%run_scoped3A : memref<!tpu.dma_semaphore, #tpu.memory_space<semaphore_mem>>)
      %dma_wait3A = arith.constant 0 : i32
      %dma_wait3A_13 = tpu.memref_slice %arg6[%arg0, %mul3A_2, %dma_wait3A] : memref<2x10112x128xf32, #tpu.memory_space<hbm>> -> memref<1x632x128xf32, #tpu.memory_space<hbm>>
      %dma_wait3A_14 = tpu.memref_squeeze %dma_wait3A_13 : memref<1x632x128xf32, #tpu.memory_space<hbm>> -> memref<632x128xf32, #tpu.memory_space<hbm>>
      %dma_wait3A_15 = arith.constant 0 : i32
      %dma_wait3A_16 = tpu.memref_slice %arg10[%mul3A_2, %dma_wait3A_15] : memref<10112x128xf32, #tpu.memory_space<vmem_shared>> -> memref<632x128xf32, #tpu.memory_space<vmem_shared>>
      tpu.wait_dma2 semaphore(%run_scoped3A : memref<!tpu.dma_semaphore, #tpu.memory_space<semaphore_mem>>) src(%dma_wait3A_16 : memref<632x128xf32, #tpu.memory_space<vmem_shared>>) dst(%dma_wait3A_14 : memref<632x128xf32, #tpu.memory_space<hbm>>)
      tpu.yield
    }) : () -> ()
    return
  }
}

module attributes {stable_mosaic.version = 14 : i64} {
  func.func @_wprep_body(%arg0: memref<4x128x128xf32, #tpu.memory_space<vmem>>, %arg1: memref<8x4xf32, #tpu.memory_space<vmem>>, %arg2: memref<128x128xf32, #tpu.memory_space<vmem>>, %arg3: memref<128x1152xf32, #tpu.memory_space<vmem>>) attributes {dimension_semantics = [], scalar_prefetch = 0 : i64, scratch_operands = 0 : i64, tpu.core_type = #tpu.core_type<tc>} {
    %get3A = arith.constant 0 : index
    %get3A_0 = arith.constant 0 : index
    %get3A_1 = arith.constant 0 : index
    %get3A_2 = vector.load %arg0[%get3A, %get3A_0, %get3A_1] : memref<4x128x128xf32, #tpu.memory_space<vmem>>, vector<1x128x128xf32>
    %get3A_3 = vector.shape_cast %get3A_2 : vector<1x128x128xf32> to vector<128x128xf32>
    %convert_element_type3A = arith.truncf %get3A_3 : vector<128x128xf32> to vector<128x128xbf16>
    %convert_element_type3A_4 = arith.extf %convert_element_type3A : vector<128x128xbf16> to vector<128x128xf32>
    %get3A_5 = arith.constant 0 : index
    %get3A_6 = arith.constant 0 : index
    %get3A_7 = vector.load %arg1[%get3A_5, %get3A_6] : memref<8x4xf32, #tpu.memory_space<vmem>>, vector<1x1xf32>
    %convert_element_type3A_8 = arith.truncf %get3A_7 : vector<1x1xf32> to vector<1x1xbf16>
    %convert_element_type3A_9 = arith.extf %convert_element_type3A_8 : vector<1x1xbf16> to vector<1x1xf32>
    %mul3A = vector.broadcast %convert_element_type3A_9 : vector<1x1xf32> to vector<128x128xf32>
    %mul3A_10 = arith.mulf %convert_element_type3A_4, %mul3A : vector<128x128xf32>
    %get3A_11 = arith.constant 1 : index
    %get3A_12 = arith.constant 0 : index
    %get3A_13 = arith.constant 0 : index
    %get3A_14 = vector.load %arg0[%get3A_11, %get3A_12, %get3A_13] : memref<4x128x128xf32, #tpu.memory_space<vmem>>, vector<1x128x128xf32>
    %get3A_15 = vector.shape_cast %get3A_14 : vector<1x128x128xf32> to vector<128x128xf32>
    %convert_element_type3A_16 = arith.truncf %get3A_15 : vector<128x128xf32> to vector<128x128xbf16>
    %convert_element_type3A_17 = arith.extf %convert_element_type3A_16 : vector<128x128xbf16> to vector<128x128xf32>
    %get3A_18 = arith.constant 0 : index
    %get3A_19 = arith.constant 1 : index
    %get3A_20 = vector.load %arg1[%get3A_18, %get3A_19] : memref<8x4xf32, #tpu.memory_space<vmem>>, vector<1x1xf32>
    %convert_element_type3A_21 = arith.truncf %get3A_20 : vector<1x1xf32> to vector<1x1xbf16>
    %convert_element_type3A_22 = arith.extf %convert_element_type3A_21 : vector<1x1xbf16> to vector<1x1xf32>
    %mul3A_23 = vector.broadcast %convert_element_type3A_22 : vector<1x1xf32> to vector<128x128xf32>
    %mul3A_24 = arith.mulf %convert_element_type3A_17, %mul3A_23 : vector<128x128xf32>
    %add3A = arith.addf %mul3A_10, %mul3A_24 : vector<128x128xf32>
    %get3A_25 = arith.constant 2 : index
    %get3A_26 = arith.constant 0 : index
    %get3A_27 = arith.constant 0 : index
    %get3A_28 = vector.load %arg0[%get3A_25, %get3A_26, %get3A_27] : memref<4x128x128xf32, #tpu.memory_space<vmem>>, vector<1x128x128xf32>
    %get3A_29 = vector.shape_cast %get3A_28 : vector<1x128x128xf32> to vector<128x128xf32>
    %convert_element_type3A_30 = arith.truncf %get3A_29 : vector<128x128xf32> to vector<128x128xbf16>
    %convert_element_type3A_31 = arith.extf %convert_element_type3A_30 : vector<128x128xbf16> to vector<128x128xf32>
    %get3A_32 = arith.constant 0 : index
    %get3A_33 = arith.constant 2 : index
    %get3A_34 = vector.load %arg1[%get3A_32, %get3A_33] : memref<8x4xf32, #tpu.memory_space<vmem>>, vector<1x1xf32>
    %convert_element_type3A_35 = arith.truncf %get3A_34 : vector<1x1xf32> to vector<1x1xbf16>
    %convert_element_type3A_36 = arith.extf %convert_element_type3A_35 : vector<1x1xbf16> to vector<1x1xf32>
    %mul3A_37 = vector.broadcast %convert_element_type3A_36 : vector<1x1xf32> to vector<128x128xf32>
    %mul3A_38 = arith.mulf %convert_element_type3A_31, %mul3A_37 : vector<128x128xf32>
    %add3A_39 = arith.addf %add3A, %mul3A_38 : vector<128x128xf32>
    %get3A_40 = arith.constant 3 : index
    %get3A_41 = arith.constant 0 : index
    %get3A_42 = arith.constant 0 : index
    %get3A_43 = vector.load %arg0[%get3A_40, %get3A_41, %get3A_42] : memref<4x128x128xf32, #tpu.memory_space<vmem>>, vector<1x128x128xf32>
    %get3A_44 = vector.shape_cast %get3A_43 : vector<1x128x128xf32> to vector<128x128xf32>
    %convert_element_type3A_45 = arith.truncf %get3A_44 : vector<128x128xf32> to vector<128x128xbf16>
    %convert_element_type3A_46 = arith.extf %convert_element_type3A_45 : vector<128x128xbf16> to vector<128x128xf32>
    %get3A_47 = arith.constant 0 : index
    %get3A_48 = arith.constant 3 : index
    %get3A_49 = vector.load %arg1[%get3A_47, %get3A_48] : memref<8x4xf32, #tpu.memory_space<vmem>>, vector<1x1xf32>
    %convert_element_type3A_50 = arith.truncf %get3A_49 : vector<1x1xf32> to vector<1x1xbf16>
    %convert_element_type3A_51 = arith.extf %convert_element_type3A_50 : vector<1x1xbf16> to vector<1x1xf32>
    %mul3A_52 = vector.broadcast %convert_element_type3A_51 : vector<1x1xf32> to vector<128x128xf32>
    %mul3A_53 = arith.mulf %convert_element_type3A_46, %mul3A_52 : vector<128x128xf32>
    %add3A_54 = arith.addf %add3A_39, %mul3A_53 : vector<128x128xf32>
    %swap3A = arith.constant 0 : index
    %swap3A_55 = arith.constant 0 : index
    %swap3A_56 = vector.load %arg3[%swap3A, %swap3A_55] : memref<128x1152xf32, #tpu.memory_space<vmem>>, vector<128x128xf32>
    tpu.vector_store %arg3[%swap3A, %swap3A_55], %add3A_54 {strides = array<i32>} : memref<128x1152xf32, #tpu.memory_space<vmem>>, vector<128x128xf32>,
    %get3A_57 = arith.constant 0 : index
    %get3A_58 = arith.constant 0 : index
    %get3A_59 = arith.constant 0 : index
    %get3A_60 = vector.load %arg0[%get3A_57, %get3A_58, %get3A_59] : memref<4x128x128xf32, #tpu.memory_space<vmem>>, vector<1x128x128xf32>
    %get3A_61 = vector.shape_cast %get3A_60 : vector<1x128x128xf32> to vector<128x128xf32>
    %convert_element_type3A_62 = arith.truncf %get3A_61 : vector<128x128xf32> to vector<128x128xbf16>
    %convert_element_type3A_63 = arith.extf %convert_element_type3A_62 : vector<128x128xbf16> to vector<128x128xf32>
    %get3A_64 = arith.constant 1 : index
    %get3A_65 = arith.constant 0 : index
    %get3A_66 = vector.load %arg1[%get3A_64, %get3A_65] : memref<8x4xf32, #tpu.memory_space<vmem>>, vector<1x1xf32>
    %convert_element_type3A_67 = arith.truncf %get3A_66 : vector<1x1xf32> to vector<1x1xbf16>
    %convert_element_type3A_68 = arith.extf %convert_element_type3A_67 : vector<1x1xbf16> to vector<1x1xf32>
    %mul3A_69 = vector.broadcast %convert_element_type3A_68 : vector<1x1xf32> to vector<128x128xf32>
    %mul3A_70 = arith.mulf %convert_element_type3A_63, %mul3A_69 : vector<128x128xf32>
    %get3A_71 = arith.constant 1 : index
    %get3A_72 = arith.constant 0 : index
    %get3A_73 = arith.constant 0 : index
    %get3A_74 = vector.load %arg0[%get3A_71, %get3A_72, %get3A_73] : memref<4x128x128xf32, #tpu.memory_space<vmem>>, vector<1x128x128xf32>
    %get3A_75 = vector.shape_cast %get3A_74 : vector<1x128x128xf32> to vector<128x128xf32>
    %convert_element_type3A_76 = arith.truncf %get3A_75 : vector<128x128xf32> to vector<128x128xbf16>
    %convert_element_type3A_77 = arith.extf %convert_element_type3A_76 : vector<128x128xbf16> to vector<128x128xf32>
    %get3A_78 = arith.constant 1 : index
    %get3A_79 = arith.constant 1 : index
    %get3A_80 = vector.load %arg1[%get3A_78, %get3A_79] : memref<8x4xf32, #tpu.memory_space<vmem>>, vector<1x1xf32>
    %convert_element_type3A_81 = arith.truncf %get3A_80 : vector<1x1xf32> to vector<1x1xbf16>
    %convert_element_type3A_82 = arith.extf %convert_element_type3A_81 : vector<1x1xbf16> to vector<1x1xf32>
    %mul3A_83 = vector.broadcast %convert_element_type3A_82 : vector<1x1xf32> to vector<128x128xf32>
    %mul3A_84 = arith.mulf %convert_element_type3A_77, %mul3A_83 : vector<128x128xf32>
    %add3A_85 = arith.addf %mul3A_70, %mul3A_84 : vector<128x128xf32>
    %get3A_86 = arith.constant 2 : index
    %get3A_87 = arith.constant 0 : index
    %get3A_88 = arith.constant 0 : index
    %get3A_89 = vector.load %arg0[%get3A_86, %get3A_87, %get3A_88] : memref<4x128x128xf32, #tpu.memory_space<vmem>>, vector<1x128x128xf32>
    %get3A_90 = vector.shape_cast %get3A_89 : vector<1x128x128xf32> to vector<128x128xf32>
    %convert_element_type3A_91 = arith.truncf %get3A_90 : vector<128x128xf32> to vector<128x128xbf16>
    %convert_element_type3A_92 = arith.extf %convert_element_type3A_91 : vector<128x128xbf16> to vector<128x128xf32>
    %get3A_93 = arith.constant 1 : index
    %get3A_94 = arith.constant 2 : index
    %get3A_95 = vector.load %arg1[%get3A_93, %get3A_94] : memref<8x4xf32, #tpu.memory_space<vmem>>, vector<1x1xf32>
    %convert_element_type3A_96 = arith.truncf %get3A_95 : vector<1x1xf32> to vector<1x1xbf16>
    %convert_element_type3A_97 = arith.extf %convert_element_type3A_96 : vector<1x1xbf16> to vector<1x1xf32>
    %mul3A_98 = vector.broadcast %convert_element_type3A_97 : vector<1x1xf32> to vector<128x128xf32>
    %mul3A_99 = arith.mulf %convert_element_type3A_92, %mul3A_98 : vector<128x128xf32>
    %add3A_100 = arith.addf %add3A_85, %mul3A_99 : vector<128x128xf32>
    %get3A_101 = arith.constant 3 : index
    %get3A_102 = arith.constant 0 : index
    %get3A_103 = arith.constant 0 : index
    %get3A_104 = vector.load %arg0[%get3A_101, %get3A_102, %get3A_103] : memref<4x128x128xf32, #tpu.memory_space<vmem>>, vector<1x128x128xf32>
    %get3A_105 = vector.shape_cast %get3A_104 : vector<1x128x128xf32> to vector<128x128xf32>
    %convert_element_type3A_106 = arith.truncf %get3A_105 : vector<128x128xf32> to vector<128x128xbf16>
    %convert_element_type3A_107 = arith.extf %convert_element_type3A_106 : vector<128x128xbf16> to vector<128x128xf32>
    %get3A_108 = arith.constant 1 : index
    %get3A_109 = arith.constant 3 : index
    %get3A_110 = vector.load %arg1[%get3A_108, %get3A_109] : memref<8x4xf32, #tpu.memory_space<vmem>>, vector<1x1xf32>
    %convert_element_type3A_111 = arith.truncf %get3A_110 : vector<1x1xf32> to vector<1x1xbf16>
    %convert_element_type3A_112 = arith.extf %convert_element_type3A_111 : vector<1x1xbf16> to vector<1x1xf32>
    %mul3A_113 = vector.broadcast %convert_element_type3A_112 : vector<1x1xf32> to vector<128x128xf32>
    %mul3A_114 = arith.mulf %convert_element_type3A_107, %mul3A_113 : vector<128x128xf32>
    %add3A_115 = arith.addf %add3A_100, %mul3A_114 : vector<128x128xf32>
    %swap3A_116 = arith.constant 0 : index
    %swap3A_117 = arith.constant 128 : index
    %swap3A_118 = vector.load %arg3[%swap3A_116, %swap3A_117] : memref<128x1152xf32, #tpu.memory_space<vmem>>, vector<128x128xf32>
    tpu.vector_store %arg3[%swap3A_116, %swap3A_117], %add3A_115 {strides = array<i32>} : memref<128x1152xf32, #tpu.memory_space<vmem>>, vector<128x128xf32>,
    %get3A_119 = arith.constant 0 : index
    %get3A_120 = arith.constant 0 : index
    %get3A_121 = arith.constant 0 : index
    %get3A_122 = vector.load %arg0[%get3A_119, %get3A_120, %get3A_121] : memref<4x128x128xf32, #tpu.memory_space<vmem>>, vector<1x128x128xf32>
    %get3A_123 = vector.shape_cast %get3A_122 : vector<1x128x128xf32> to vector<128x128xf32>
    %convert_element_type3A_124 = arith.truncf %get3A_123 : vector<128x128xf32> to vector<128x128xbf16>
    %convert_element_type3A_125 = arith.extf %convert_element_type3A_124 : vector<128x128xbf16> to vector<128x128xf32>
    %get3A_126 = arith.constant 2 : index
    %get3A_127 = arith.constant 0 : index
    %get3A_128 = vector.load %arg1[%get3A_126, %get3A_127] : memref<8x4xf32, #tpu.memory_space<vmem>>, vector<1x1xf32>
    %convert_element_type3A_129 = arith.truncf %get3A_128 : vector<1x1xf32> to vector<1x1xbf16>
    %convert_element_type3A_130 = arith.extf %convert_element_type3A_129 : vector<1x1xbf16> to vector<1x1xf32>
    %mul3A_131 = vector.broadcast %convert_element_type3A_130 : vector<1x1xf32> to vector<128x128xf32>
    %mul3A_132 = arith.mulf %convert_element_type3A_125, %mul3A_131 : vector<128x128xf32>
    %get3A_133 = arith.constant 1 : index
    %get3A_134 = arith.constant 0 : index
    %get3A_135 = arith.constant 0 : index
    %get3A_136 = vector.load %arg0[%get3A_133, %get3A_134, %get3A_135] : memref<4x128x128xf32, #tpu.memory_space<vmem>>, vector<1x128x128xf32>
    %get3A_137 = vector.shape_cast %get3A_136 : vector<1x128x128xf32> to vector<128x128xf32>
    %convert_element_type3A_138 = arith.truncf %get3A_137 : vector<128x128xf32> to vector<128x128xbf16>
    %convert_element_type3A_139 = arith.extf %convert_element_type3A_138 : vector<128x128xbf16> to vector<128x128xf32>
    %get3A_140 = arith.constant 2 : index
    %get3A_141 = arith.constant 1 : index
    %get3A_142 = vector.load %arg1[%get3A_140, %get3A_141] : memref<8x4xf32, #tpu.memory_space<vmem>>, vector<1x1xf32>
    %convert_element_type3A_143 = arith.truncf %get3A_142 : vector<1x1xf32> to vector<1x1xbf16>
    %convert_element_type3A_144 = arith.extf %convert_element_type3A_143 : vector<1x1xbf16> to vector<1x1xf32>
    %mul3A_145 = vector.broadcast %convert_element_type3A_144 : vector<1x1xf32> to vector<128x128xf32>
    %mul3A_146 = arith.mulf %convert_element_type3A_139, %mul3A_145 : vector<128x128xf32>
    %add3A_147 = arith.addf %mul3A_132, %mul3A_146 : vector<128x128xf32>
    %get3A_148 = arith.constant 2 : index
    %get3A_149 = arith.constant 0 : index
    %get3A_150 = arith.constant 0 : index
    %get3A_151 = vector.load %arg0[%get3A_148, %get3A_149, %get3A_150] : memref<4x128x128xf32, #tpu.memory_space<vmem>>, vector<1x128x128xf32>
    %get3A_152 = vector.shape_cast %get3A_151 : vector<1x128x128xf32> to vector<128x128xf32>
    %convert_element_type3A_153 = arith.truncf %get3A_152 : vector<128x128xf32> to vector<128x128xbf16>
    %convert_element_type3A_154 = arith.extf %convert_element_type3A_153 : vector<128x128xbf16> to vector<128x128xf32>
    %get3A_155 = arith.constant 2 : index
    %get3A_156 = arith.constant 2 : index
    %get3A_157 = vector.load %arg1[%get3A_155, %get3A_156] : memref<8x4xf32, #tpu.memory_space<vmem>>, vector<1x1xf32>
    %convert_element_type3A_158 = arith.truncf %get3A_157 : vector<1x1xf32> to vector<1x1xbf16>
    %convert_element_type3A_159 = arith.extf %convert_element_type3A_158 : vector<1x1xbf16> to vector<1x1xf32>
    %mul3A_160 = vector.broadcast %convert_element_type3A_159 : vector<1x1xf32> to vector<128x128xf32>
    %mul3A_161 = arith.mulf %convert_element_type3A_154, %mul3A_160 : vector<128x128xf32>
    %add3A_162 = arith.addf %add3A_147, %mul3A_161 : vector<128x128xf32>
    %get3A_163 = arith.constant 3 : index
    %get3A_164 = arith.constant 0 : index
    %get3A_165 = arith.constant 0 : index
    %get3A_166 = vector.load %arg0[%get3A_163, %get3A_164, %get3A_165] : memref<4x128x128xf32, #tpu.memory_space<vmem>>, vector<1x128x128xf32>
    %get3A_167 = vector.shape_cast %get3A_166 : vector<1x128x128xf32> to vector<128x128xf32>
    %convert_element_type3A_168 = arith.truncf %get3A_167 : vector<128x128xf32> to vector<128x128xbf16>
    %convert_element_type3A_169 = arith.extf %convert_element_type3A_168 : vector<128x128xbf16> to vector<128x128xf32>
    %get3A_170 = arith.constant 2 : index
    %get3A_171 = arith.constant 3 : index
    %get3A_172 = vector.load %arg1[%get3A_170, %get3A_171] : memref<8x4xf32, #tpu.memory_space<vmem>>, vector<1x1xf32>
    %convert_element_type3A_173 = arith.truncf %get3A_172 : vector<1x1xf32> to vector<1x1xbf16>
    %convert_element_type3A_174 = arith.extf %convert_element_type3A_173 : vector<1x1xbf16> to vector<1x1xf32>
    %mul3A_175 = vector.broadcast %convert_element_type3A_174 : vector<1x1xf32> to vector<128x128xf32>
    %mul3A_176 = arith.mulf %convert_element_type3A_169, %mul3A_175 : vector<128x128xf32>
    %add3A_177 = arith.addf %add3A_162, %mul3A_176 : vector<128x128xf32>
    %swap3A_178 = arith.constant 0 : index
    %swap3A_179 = arith.constant 256 : index
    %swap3A_180 = vector.load %arg3[%swap3A_178, %swap3A_179] : memref<128x1152xf32, #tpu.memory_space<vmem>>, vector<128x128xf32>
    tpu.vector_store %arg3[%swap3A_178, %swap3A_179], %add3A_177 {strides = array<i32>} : memref<128x1152xf32, #tpu.memory_space<vmem>>, vector<128x128xf32>,
    %get3A_181 = arith.constant 0 : index
    %get3A_182 = arith.constant 0 : index
    %get3A_183 = arith.constant 0 : index
    %get3A_184 = vector.load %arg0[%get3A_181, %get3A_182, %get3A_183] : memref<4x128x128xf32, #tpu.memory_space<vmem>>, vector<1x128x128xf32>
    %get3A_185 = vector.shape_cast %get3A_184 : vector<1x128x128xf32> to vector<128x128xf32>
    %convert_element_type3A_186 = arith.truncf %get3A_185 : vector<128x128xf32> to vector<128x128xbf16>
    %convert_element_type3A_187 = arith.extf %convert_element_type3A_186 : vector<128x128xbf16> to vector<128x128xf32>
    %get3A_188 = arith.constant 3 : index
    %get3A_189 = arith.constant 0 : index
    %get3A_190 = vector.load %arg1[%get3A_188, %get3A_189] : memref<8x4xf32, #tpu.memory_space<vmem>>, vector<1x1xf32>
    %convert_element_type3A_191 = arith.truncf %get3A_190 : vector<1x1xf32> to vector<1x1xbf16>
    %convert_element_type3A_192 = arith.extf %convert_element_type3A_191 : vector<1x1xbf16> to vector<1x1xf32>
    %mul3A_193 = vector.broadcast %convert_element_type3A_192 : vector<1x1xf32> to vector<128x128xf32>
    %mul3A_194 = arith.mulf %convert_element_type3A_187, %mul3A_193 : vector<128x128xf32>
    %get3A_195 = arith.constant 1 : index
    %get3A_196 = arith.constant 0 : index
    %get3A_197 = arith.constant 0 : index
    %get3A_198 = vector.load %arg0[%get3A_195, %get3A_196, %get3A_197] : memref<4x128x128xf32, #tpu.memory_space<vmem>>, vector<1x128x128xf32>
    %get3A_199 = vector.shape_cast %get3A_198 : vector<1x128x128xf32> to vector<128x128xf32>
    %convert_element_type3A_200 = arith.truncf %get3A_199 : vector<128x128xf32> to vector<128x128xbf16>
    %convert_element_type3A_201 = arith.extf %convert_element_type3A_200 : vector<128x128xbf16> to vector<128x128xf32>
    %get3A_202 = arith.constant 3 : index
    %get3A_203 = arith.constant 1 : index
    %get3A_204 = vector.load %arg1[%get3A_202, %get3A_203] : memref<8x4xf32, #tpu.memory_space<vmem>>, vector<1x1xf32>
    %convert_element_type3A_205 = arith.truncf %get3A_204 : vector<1x1xf32> to vector<1x1xbf16>
    %convert_element_type3A_206 = arith.extf %convert_element_type3A_205 : vector<1x1xbf16> to vector<1x1xf32>
    %mul3A_207 = vector.broadcast %convert_element_type3A_206 : vector<1x1xf32> to vector<128x128xf32>
    %mul3A_208 = arith.mulf %convert_element_type3A_201, %mul3A_207 : vector<128x128xf32>
    %add3A_209 = arith.addf %mul3A_194, %mul3A_208 : vector<128x128xf32>
    %get3A_210 = arith.constant 2 : index
    %get3A_211 = arith.constant 0 : index
    %get3A_212 = arith.constant 0 : index
    %get3A_213 = vector.load %arg0[%get3A_210, %get3A_211, %get3A_212] : memref<4x128x128xf32, #tpu.memory_space<vmem>>, vector<1x128x128xf32>
    %get3A_214 = vector.shape_cast %get3A_213 : vector<1x128x128xf32> to vector<128x128xf32>
    %convert_element_type3A_215 = arith.truncf %get3A_214 : vector<128x128xf32> to vector<128x128xbf16>
    %convert_element_type3A_216 = arith.extf %convert_element_type3A_215 : vector<128x128xbf16> to vector<128x128xf32>
    %get3A_217 = arith.constant 3 : index
    %get3A_218 = arith.constant 2 : index
    %get3A_219 = vector.load %arg1[%get3A_217, %get3A_218] : memref<8x4xf32, #tpu.memory_space<vmem>>, vector<1x1xf32>
    %convert_element_type3A_220 = arith.truncf %get3A_219 : vector<1x1xf32> to vector<1x1xbf16>
    %convert_element_type3A_221 = arith.extf %convert_element_type3A_220 : vector<1x1xbf16> to vector<1x1xf32>
    %mul3A_222 = vector.broadcast %convert_element_type3A_221 : vector<1x1xf32> to vector<128x128xf32>
    %mul3A_223 = arith.mulf %convert_element_type3A_216, %mul3A_222 : vector<128x128xf32>
    %add3A_224 = arith.addf %add3A_209, %mul3A_223 : vector<128x128xf32>
    %get3A_225 = arith.constant 3 : index
    %get3A_226 = arith.constant 0 : index
    %get3A_227 = arith.constant 0 : index
    %get3A_228 = vector.load %arg0[%get3A_225, %get3A_226, %get3A_227] : memref<4x128x128xf32, #tpu.memory_space<vmem>>, vector<1x128x128xf32>
    %get3A_229 = vector.shape_cast %get3A_228 : vector<1x128x128xf32> to vector<128x128xf32>
    %convert_element_type3A_230 = arith.truncf %get3A_229 : vector<128x128xf32> to vector<128x128xbf16>
    %convert_element_type3A_231 = arith.extf %convert_element_type3A_230 : vector<128x128xbf16> to vector<128x128xf32>
    %get3A_232 = arith.constant 3 : index
    %get3A_233 = arith.constant 3 : index
    %get3A_234 = vector.load %arg1[%get3A_232, %get3A_233] : memref<8x4xf32, #tpu.memory_space<vmem>>, vector<1x1xf32>
    %convert_element_type3A_235 = arith.truncf %get3A_234 : vector<1x1xf32> to vector<1x1xbf16>
    %convert_element_type3A_236 = arith.extf %convert_element_type3A_235 : vector<1x1xbf16> to vector<1x1xf32>
    %mul3A_237 = vector.broadcast %convert_element_type3A_236 : vector<1x1xf32> to vector<128x128xf32>
    %mul3A_238 = arith.mulf %convert_element_type3A_231, %mul3A_237 : vector<128x128xf32>
    %add3A_239 = arith.addf %add3A_224, %mul3A_238 : vector<128x128xf32>
    %swap3A_240 = arith.constant 0 : index
    %swap3A_241 = arith.constant 384 : index
    %swap3A_242 = vector.load %arg3[%swap3A_240, %swap3A_241] : memref<128x1152xf32, #tpu.memory_space<vmem>>, vector<128x128xf32>
    tpu.vector_store %arg3[%swap3A_240, %swap3A_241], %add3A_239 {strides = array<i32>} : memref<128x1152xf32, #tpu.memory_space<vmem>>, vector<128x128xf32>,
    %get3A_243 = arith.constant 0 : index
    %get3A_244 = arith.constant 0 : index
    %get3A_245 = arith.constant 0 : index
    %get3A_246 = vector.load %arg0[%get3A_243, %get3A_244, %get3A_245] : memref<4x128x128xf32, #tpu.memory_space<vmem>>, vector<1x128x128xf32>
    %get3A_247 = vector.shape_cast %get3A_246 : vector<1x128x128xf32> to vector<128x128xf32>
    %convert_element_type3A_248 = arith.truncf %get3A_247 : vector<128x128xf32> to vector<128x128xbf16>
    %convert_element_type3A_249 = arith.extf %convert_element_type3A_248 : vector<128x128xbf16> to vector<128x128xf32>
    %get3A_250 = arith.constant 4 : index
    %get3A_251 = arith.constant 0 : index
    %get3A_252 = vector.load %arg1[%get3A_250, %get3A_251] : memref<8x4xf32, #tpu.memory_space<vmem>>, vector<1x1xf32>
    %convert_element_type3A_253 = arith.truncf %get3A_252 : vector<1x1xf32> to vector<1x1xbf16>
    %convert_element_type3A_254 = arith.extf %convert_element_type3A_253 : vector<1x1xbf16> to vector<1x1xf32>
    %mul3A_255 = vector.broadcast %convert_element_type3A_254 : vector<1x1xf32> to vector<128x128xf32>
    %mul3A_256 = arith.mulf %convert_element_type3A_249, %mul3A_255 : vector<128x128xf32>
    %get3A_257 = arith.constant 1 : index
    %get3A_258 = arith.constant 0 : index
    %get3A_259 = arith.constant 0 : index
    %get3A_260 = vector.load %arg0[%get3A_257, %get3A_258, %get3A_259] : memref<4x128x128xf32, #tpu.memory_space<vmem>>, vector<1x128x128xf32>
    %get3A_261 = vector.shape_cast %get3A_260 : vector<1x128x128xf32> to vector<128x128xf32>
    %convert_element_type3A_262 = arith.truncf %get3A_261 : vector<128x128xf32> to vector<128x128xbf16>
    %convert_element_type3A_263 = arith.extf %convert_element_type3A_262 : vector<128x128xbf16> to vector<128x128xf32>
    %get3A_264 = arith.constant 4 : index
    %get3A_265 = arith.constant 1 : index
    %get3A_266 = vector.load %arg1[%get3A_264, %get3A_265] : memref<8x4xf32, #tpu.memory_space<vmem>>, vector<1x1xf32>
    %convert_element_type3A_267 = arith.truncf %get3A_266 : vector<1x1xf32> to vector<1x1xbf16>
    %convert_element_type3A_268 = arith.extf %convert_element_type3A_267 : vector<1x1xbf16> to vector<1x1xf32>
    %mul3A_269 = vector.broadcast %convert_element_type3A_268 : vector<1x1xf32> to vector<128x128xf32>
    %mul3A_270 = arith.mulf %convert_element_type3A_263, %mul3A_269 : vector<128x128xf32>
    %add3A_271 = arith.addf %mul3A_256, %mul3A_270 : vector<128x128xf32>
    %get3A_272 = arith.constant 2 : index
    %get3A_273 = arith.constant 0 : index
    %get3A_274 = arith.constant 0 : index
    %get3A_275 = vector.load %arg0[%get3A_272, %get3A_273, %get3A_274] : memref<4x128x128xf32, #tpu.memory_space<vmem>>, vector<1x128x128xf32>
    %get3A_276 = vector.shape_cast %get3A_275 : vector<1x128x128xf32> to vector<128x128xf32>
    %convert_element_type3A_277 = arith.truncf %get3A_276 : vector<128x128xf32> to vector<128x128xbf16>
    %convert_element_type3A_278 = arith.extf %convert_element_type3A_277 : vector<128x128xbf16> to vector<128x128xf32>
    %get3A_279 = arith.constant 4 : index
    %get3A_280 = arith.constant 2 : index
    %get3A_281 = vector.load %arg1[%get3A_279, %get3A_280] : memref<8x4xf32, #tpu.memory_space<vmem>>, vector<1x1xf32>
    %convert_element_type3A_282 = arith.truncf %get3A_281 : vector<1x1xf32> to vector<1x1xbf16>
    %convert_element_type3A_283 = arith.extf %convert_element_type3A_282 : vector<1x1xbf16> to vector<1x1xf32>
    %mul3A_284 = vector.broadcast %convert_element_type3A_283 : vector<1x1xf32> to vector<128x128xf32>
    %mul3A_285 = arith.mulf %convert_element_type3A_278, %mul3A_284 : vector<128x128xf32>
    %add3A_286 = arith.addf %add3A_271, %mul3A_285 : vector<128x128xf32>
    %get3A_287 = arith.constant 3 : index
    %get3A_288 = arith.constant 0 : index
    %get3A_289 = arith.constant 0 : index
    %get3A_290 = vector.load %arg0[%get3A_287, %get3A_288, %get3A_289] : memref<4x128x128xf32, #tpu.memory_space<vmem>>, vector<1x128x128xf32>
    %get3A_291 = vector.shape_cast %get3A_290 : vector<1x128x128xf32> to vector<128x128xf32>
    %convert_element_type3A_292 = arith.truncf %get3A_291 : vector<128x128xf32> to vector<128x128xbf16>
    %convert_element_type3A_293 = arith.extf %convert_element_type3A_292 : vector<128x128xbf16> to vector<128x128xf32>
    %get3A_294 = arith.constant 4 : index
    %get3A_295 = arith.constant 3 : index
    %get3A_296 = vector.load %arg1[%get3A_294, %get3A_295] : memref<8x4xf32, #tpu.memory_space<vmem>>, vector<1x1xf32>
    %convert_element_type3A_297 = arith.truncf %get3A_296 : vector<1x1xf32> to vector<1x1xbf16>
    %convert_element_type3A_298 = arith.extf %convert_element_type3A_297 : vector<1x1xbf16> to vector<1x1xf32>
    %mul3A_299 = vector.broadcast %convert_element_type3A_298 : vector<1x1xf32> to vector<128x128xf32>
    %mul3A_300 = arith.mulf %convert_element_type3A_293, %mul3A_299 : vector<128x128xf32>
    %add3A_301 = arith.addf %add3A_286, %mul3A_300 : vector<128x128xf32>
    %swap3A_302 = arith.constant 0 : index
    %swap3A_303 = arith.constant 512 : index
    %swap3A_304 = vector.load %arg3[%swap3A_302, %swap3A_303] : memref<128x1152xf32, #tpu.memory_space<vmem>>, vector<128x128xf32>
    tpu.vector_store %arg3[%swap3A_302, %swap3A_303], %add3A_301 {strides = array<i32>} : memref<128x1152xf32, #tpu.memory_space<vmem>>, vector<128x128xf32>,
    %get3A_305 = arith.constant 0 : index
    %get3A_306 = arith.constant 0 : index
    %get3A_307 = arith.constant 0 : index
    %get3A_308 = vector.load %arg0[%get3A_305, %get3A_306, %get3A_307] : memref<4x128x128xf32, #tpu.memory_space<vmem>>, vector<1x128x128xf32>
    %get3A_309 = vector.shape_cast %get3A_308 : vector<1x128x128xf32> to vector<128x128xf32>
    %convert_element_type3A_310 = arith.truncf %get3A_309 : vector<128x128xf32> to vector<128x128xbf16>
    %convert_element_type3A_311 = arith.extf %convert_element_type3A_310 : vector<128x128xbf16> to vector<128x128xf32>
    %get3A_312 = arith.constant 5 : index
    %get3A_313 = arith.constant 0 : index
    %get3A_314 = vector.load %arg1[%get3A_312, %get3A_313] : memref<8x4xf32, #tpu.memory_space<vmem>>, vector<1x1xf32>
    %convert_element_type3A_315 = arith.truncf %get3A_314 : vector<1x1xf32> to vector<1x1xbf16>
    %convert_element_type3A_316 = arith.extf %convert_element_type3A_315 : vector<1x1xbf16> to vector<1x1xf32>
    %mul3A_317 = vector.broadcast %convert_element_type3A_316 : vector<1x1xf32> to vector<128x128xf32>
    %mul3A_318 = arith.mulf %convert_element_type3A_311, %mul3A_317 : vector<128x128xf32>
    %get3A_319 = arith.constant 1 : index
    %get3A_320 = arith.constant 0 : index
    %get3A_321 = arith.constant 0 : index
    %get3A_322 = vector.load %arg0[%get3A_319, %get3A_320, %get3A_321] : memref<4x128x128xf32, #tpu.memory_space<vmem>>, vector<1x128x128xf32>
    %get3A_323 = vector.shape_cast %get3A_322 : vector<1x128x128xf32> to vector<128x128xf32>
    %convert_element_type3A_324 = arith.truncf %get3A_323 : vector<128x128xf32> to vector<128x128xbf16>
    %convert_element_type3A_325 = arith.extf %convert_element_type3A_324 : vector<128x128xbf16> to vector<128x128xf32>
    %get3A_326 = arith.constant 5 : index
    %get3A_327 = arith.constant 1 : index
    %get3A_328 = vector.load %arg1[%get3A_326, %get3A_327] : memref<8x4xf32, #tpu.memory_space<vmem>>, vector<1x1xf32>
    %convert_element_type3A_329 = arith.truncf %get3A_328 : vector<1x1xf32> to vector<1x1xbf16>
    %convert_element_type3A_330 = arith.extf %convert_element_type3A_329 : vector<1x1xbf16> to vector<1x1xf32>
    %mul3A_331 = vector.broadcast %convert_element_type3A_330 : vector<1x1xf32> to vector<128x128xf32>
    %mul3A_332 = arith.mulf %convert_element_type3A_325, %mul3A_331 : vector<128x128xf32>
    %add3A_333 = arith.addf %mul3A_318, %mul3A_332 : vector<128x128xf32>
    %get3A_334 = arith.constant 2 : index
    %get3A_335 = arith.constant 0 : index
    %get3A_336 = arith.constant 0 : index
    %get3A_337 = vector.load %arg0[%get3A_334, %get3A_335, %get3A_336] : memref<4x128x128xf32, #tpu.memory_space<vmem>>, vector<1x128x128xf32>
    %get3A_338 = vector.shape_cast %get3A_337 : vector<1x128x128xf32> to vector<128x128xf32>
    %convert_element_type3A_339 = arith.truncf %get3A_338 : vector<128x128xf32> to vector<128x128xbf16>
    %convert_element_type3A_340 = arith.extf %convert_element_type3A_339 : vector<128x128xbf16> to vector<128x128xf32>
    %get3A_341 = arith.constant 5 : index
    %get3A_342 = arith.constant 2 : index
    %get3A_343 = vector.load %arg1[%get3A_341, %get3A_342] : memref<8x4xf32, #tpu.memory_space<vmem>>, vector<1x1xf32>
    %convert_element_type3A_344 = arith.truncf %get3A_343 : vector<1x1xf32> to vector<1x1xbf16>
    %convert_element_type3A_345 = arith.extf %convert_element_type3A_344 : vector<1x1xbf16> to vector<1x1xf32>
    %mul3A_346 = vector.broadcast %convert_element_type3A_345 : vector<1x1xf32> to vector<128x128xf32>
    %mul3A_347 = arith.mulf %convert_element_type3A_340, %mul3A_346 : vector<128x128xf32>
    %add3A_348 = arith.addf %add3A_333, %mul3A_347 : vector<128x128xf32>
    %get3A_349 = arith.constant 3 : index
    %get3A_350 = arith.constant 0 : index
    %get3A_351 = arith.constant 0 : index
    %get3A_352 = vector.load %arg0[%get3A_349, %get3A_350, %get3A_351] : memref<4x128x128xf32, #tpu.memory_space<vmem>>, vector<1x128x128xf32>
    %get3A_353 = vector.shape_cast %get3A_352 : vector<1x128x128xf32> to vector<128x128xf32>
    %convert_element_type3A_354 = arith.truncf %get3A_353 : vector<128x128xf32> to vector<128x128xbf16>
    %convert_element_type3A_355 = arith.extf %convert_element_type3A_354 : vector<128x128xbf16> to vector<128x128xf32>
    %get3A_356 = arith.constant 5 : index
    %get3A_357 = arith.constant 3 : index
    %get3A_358 = vector.load %arg1[%get3A_356, %get3A_357] : memref<8x4xf32, #tpu.memory_space<vmem>>, vector<1x1xf32>
    %convert_element_type3A_359 = arith.truncf %get3A_358 : vector<1x1xf32> to vector<1x1xbf16>
    %convert_element_type3A_360 = arith.extf %convert_element_type3A_359 : vector<1x1xbf16> to vector<1x1xf32>
    %mul3A_361 = vector.broadcast %convert_element_type3A_360 : vector<1x1xf32> to vector<128x128xf32>
    %mul3A_362 = arith.mulf %convert_element_type3A_355, %mul3A_361 : vector<128x128xf32>
    %add3A_363 = arith.addf %add3A_348, %mul3A_362 : vector<128x128xf32>
    %swap3A_364 = arith.constant 0 : index
    %swap3A_365 = arith.constant 640 : index
    %swap3A_366 = vector.load %arg3[%swap3A_364, %swap3A_365] : memref<128x1152xf32, #tpu.memory_space<vmem>>, vector<128x128xf32>
    tpu.vector_store %arg3[%swap3A_364, %swap3A_365], %add3A_363 {strides = array<i32>} : memref<128x1152xf32, #tpu.memory_space<vmem>>, vector<128x128xf32>,
    %get3A_367 = arith.constant 0 : index
    %get3A_368 = arith.constant 0 : index
    %get3A_369 = arith.constant 0 : index
    %get3A_370 = vector.load %arg0[%get3A_367, %get3A_368, %get3A_369] : memref<4x128x128xf32, #tpu.memory_space<vmem>>, vector<1x128x128xf32>
    %get3A_371 = vector.shape_cast %get3A_370 : vector<1x128x128xf32> to vector<128x128xf32>
    %convert_element_type3A_372 = arith.truncf %get3A_371 : vector<128x128xf32> to vector<128x128xbf16>
    %convert_element_type3A_373 = arith.extf %convert_element_type3A_372 : vector<128x128xbf16> to vector<128x128xf32>
    %get3A_374 = arith.constant 6 : index
    %get3A_375 = arith.constant 0 : index
    %get3A_376 = vector.load %arg1[%get3A_374, %get3A_375] : memref<8x4xf32, #tpu.memory_space<vmem>>, vector<1x1xf32>
    %convert_element_type3A_377 = arith.truncf %get3A_376 : vector<1x1xf32> to vector<1x1xbf16>
    %convert_element_type3A_378 = arith.extf %convert_element_type3A_377 : vector<1x1xbf16> to vector<1x1xf32>
    %mul3A_379 = vector.broadcast %convert_element_type3A_378 : vector<1x1xf32> to vector<128x128xf32>
    %mul3A_380 = arith.mulf %convert_element_type3A_373, %mul3A_379 : vector<128x128xf32>
    %get3A_381 = arith.constant 1 : index
    %get3A_382 = arith.constant 0 : index
    %get3A_383 = arith.constant 0 : index
    %get3A_384 = vector.load %arg0[%get3A_381, %get3A_382, %get3A_383] : memref<4x128x128xf32, #tpu.memory_space<vmem>>, vector<1x128x128xf32>
    %get3A_385 = vector.shape_cast %get3A_384 : vector<1x128x128xf32> to vector<128x128xf32>
    %convert_element_type3A_386 = arith.truncf %get3A_385 : vector<128x128xf32> to vector<128x128xbf16>
    %convert_element_type3A_387 = arith.extf %convert_element_type3A_386 : vector<128x128xbf16> to vector<128x128xf32>
    %get3A_388 = arith.constant 6 : index
    %get3A_389 = arith.constant 1 : index
    %get3A_390 = vector.load %arg1[%get3A_388, %get3A_389] : memref<8x4xf32, #tpu.memory_space<vmem>>, vector<1x1xf32>
    %convert_element_type3A_391 = arith.truncf %get3A_390 : vector<1x1xf32> to vector<1x1xbf16>
    %convert_element_type3A_392 = arith.extf %convert_element_type3A_391 : vector<1x1xbf16> to vector<1x1xf32>
    %mul3A_393 = vector.broadcast %convert_element_type3A_392 : vector<1x1xf32> to vector<128x128xf32>
    %mul3A_394 = arith.mulf %convert_element_type3A_387, %mul3A_393 : vector<128x128xf32>
    %add3A_395 = arith.addf %mul3A_380, %mul3A_394 : vector<128x128xf32>
    %get3A_396 = arith.constant 2 : index
    %get3A_397 = arith.constant 0 : index
    %get3A_398 = arith.constant 0 : index
    %get3A_399 = vector.load %arg0[%get3A_396, %get3A_397, %get3A_398] : memref<4x128x128xf32, #tpu.memory_space<vmem>>, vector<1x128x128xf32>
    %get3A_400 = vector.shape_cast %get3A_399 : vector<1x128x128xf32> to vector<128x128xf32>
    %convert_element_type3A_401 = arith.truncf %get3A_400 : vector<128x128xf32> to vector<128x128xbf16>
    %convert_element_type3A_402 = arith.extf %convert_element_type3A_401 : vector<128x128xbf16> to vector<128x128xf32>
    %get3A_403 = arith.constant 6 : index
    %get3A_404 = arith.constant 2 : index
    %get3A_405 = vector.load %arg1[%get3A_403, %get3A_404] : memref<8x4xf32, #tpu.memory_space<vmem>>, vector<1x1xf32>
    %convert_element_type3A_406 = arith.truncf %get3A_405 : vector<1x1xf32> to vector<1x1xbf16>
    %convert_element_type3A_407 = arith.extf %convert_element_type3A_406 : vector<1x1xbf16> to vector<1x1xf32>
    %mul3A_408 = vector.broadcast %convert_element_type3A_407 : vector<1x1xf32> to vector<128x128xf32>
    %mul3A_409 = arith.mulf %convert_element_type3A_402, %mul3A_408 : vector<128x128xf32>
    %add3A_410 = arith.addf %add3A_395, %mul3A_409 : vector<128x128xf32>
    %get3A_411 = arith.constant 3 : index
    %get3A_412 = arith.constant 0 : index
    %get3A_413 = arith.constant 0 : index
    %get3A_414 = vector.load %arg0[%get3A_411, %get3A_412, %get3A_413] : memref<4x128x128xf32, #tpu.memory_space<vmem>>, vector<1x128x128xf32>
    %get3A_415 = vector.shape_cast %get3A_414 : vector<1x128x128xf32> to vector<128x128xf32>
    %convert_element_type3A_416 = arith.truncf %get3A_415 : vector<128x128xf32> to vector<128x128xbf16>
    %convert_element_type3A_417 = arith.extf %convert_element_type3A_416 : vector<128x128xbf16> to vector<128x128xf32>
    %get3A_418 = arith.constant 6 : index
    %get3A_419 = arith.constant 3 : index
    %get3A_420 = vector.load %arg1[%get3A_418, %get3A_419] : memref<8x4xf32, #tpu.memory_space<vmem>>, vector<1x1xf32>
    %convert_element_type3A_421 = arith.truncf %get3A_420 : vector<1x1xf32> to vector<1x1xbf16>
    %convert_element_type3A_422 = arith.extf %convert_element_type3A_421 : vector<1x1xbf16> to vector<1x1xf32>
    %mul3A_423 = vector.broadcast %convert_element_type3A_422 : vector<1x1xf32> to vector<128x128xf32>
    %mul3A_424 = arith.mulf %convert_element_type3A_417, %mul3A_423 : vector<128x128xf32>
    %add3A_425 = arith.addf %add3A_410, %mul3A_424 : vector<128x128xf32>
    %swap3A_426 = arith.constant 0 : index
    %swap3A_427 = arith.constant 768 : index
    %swap3A_428 = vector.load %arg3[%swap3A_426, %swap3A_427] : memref<128x1152xf32, #tpu.memory_space<vmem>>, vector<128x128xf32>
    tpu.vector_store %arg3[%swap3A_426, %swap3A_427], %add3A_425 {strides = array<i32>} : memref<128x1152xf32, #tpu.memory_space<vmem>>, vector<128x128xf32>,
    %get3A_429 = arith.constant 0 : index
    %get3A_430 = arith.constant 0 : index
    %get3A_431 = arith.constant 0 : index
    %get3A_432 = vector.load %arg0[%get3A_429, %get3A_430, %get3A_431] : memref<4x128x128xf32, #tpu.memory_space<vmem>>, vector<1x128x128xf32>
    %get3A_433 = vector.shape_cast %get3A_432 : vector<1x128x128xf32> to vector<128x128xf32>
    %convert_element_type3A_434 = arith.truncf %get3A_433 : vector<128x128xf32> to vector<128x128xbf16>
    %convert_element_type3A_435 = arith.extf %convert_element_type3A_434 : vector<128x128xbf16> to vector<128x128xf32>
    %get3A_436 = arith.constant 7 : index
    %get3A_437 = arith.constant 0 : index
    %get3A_438 = vector.load %arg1[%get3A_436, %get3A_437] : memref<8x4xf32, #tpu.memory_space<vmem>>, vector<1x1xf32>
    %convert_element_type3A_439 = arith.truncf %get3A_438 : vector<1x1xf32> to vector<1x1xbf16>
    %convert_element_type3A_440 = arith.extf %convert_element_type3A_439 : vector<1x1xbf16> to vector<1x1xf32>
    %mul3A_441 = vector.broadcast %convert_element_type3A_440 : vector<1x1xf32> to vector<128x128xf32>
    %mul3A_442 = arith.mulf %convert_element_type3A_435, %mul3A_441 : vector<128x128xf32>
    %get3A_443 = arith.constant 1 : index
    %get3A_444 = arith.constant 0 : index
    %get3A_445 = arith.constant 0 : index
    %get3A_446 = vector.load %arg0[%get3A_443, %get3A_444, %get3A_445] : memref<4x128x128xf32, #tpu.memory_space<vmem>>, vector<1x128x128xf32>
    %get3A_447 = vector.shape_cast %get3A_446 : vector<1x128x128xf32> to vector<128x128xf32>
    %convert_element_type3A_448 = arith.truncf %get3A_447 : vector<128x128xf32> to vector<128x128xbf16>
    %convert_element_type3A_449 = arith.extf %convert_element_type3A_448 : vector<128x128xbf16> to vector<128x128xf32>
    %get3A_450 = arith.constant 7 : index
    %get3A_451 = arith.constant 1 : index
    %get3A_452 = vector.load %arg1[%get3A_450, %get3A_451] : memref<8x4xf32, #tpu.memory_space<vmem>>, vector<1x1xf32>
    %convert_element_type3A_453 = arith.truncf %get3A_452 : vector<1x1xf32> to vector<1x1xbf16>
    %convert_element_type3A_454 = arith.extf %convert_element_type3A_453 : vector<1x1xbf16> to vector<1x1xf32>
    %mul3A_455 = vector.broadcast %convert_element_type3A_454 : vector<1x1xf32> to vector<128x128xf32>
    %mul3A_456 = arith.mulf %convert_element_type3A_449, %mul3A_455 : vector<128x128xf32>
    %add3A_457 = arith.addf %mul3A_442, %mul3A_456 : vector<128x128xf32>
    %get3A_458 = arith.constant 2 : index
    %get3A_459 = arith.constant 0 : index
    %get3A_460 = arith.constant 0 : index
    %get3A_461 = vector.load %arg0[%get3A_458, %get3A_459, %get3A_460] : memref<4x128x128xf32, #tpu.memory_space<vmem>>, vector<1x128x128xf32>
    %get3A_462 = vector.shape_cast %get3A_461 : vector<1x128x128xf32> to vector<128x128xf32>
    %convert_element_type3A_463 = arith.truncf %get3A_462 : vector<128x128xf32> to vector<128x128xbf16>
    %convert_element_type3A_464 = arith.extf %convert_element_type3A_463 : vector<128x128xbf16> to vector<128x128xf32>
    %get3A_465 = arith.constant 7 : index
    %get3A_466 = arith.constant 2 : index
    %get3A_467 = vector.load %arg1[%get3A_465, %get3A_466] : memref<8x4xf32, #tpu.memory_space<vmem>>, vector<1x1xf32>
    %convert_element_type3A_468 = arith.truncf %get3A_467 : vector<1x1xf32> to vector<1x1xbf16>
    %convert_element_type3A_469 = arith.extf %convert_element_type3A_468 : vector<1x1xbf16> to vector<1x1xf32>
    %mul3A_470 = vector.broadcast %convert_element_type3A_469 : vector<1x1xf32> to vector<128x128xf32>
    %mul3A_471 = arith.mulf %convert_element_type3A_464, %mul3A_470 : vector<128x128xf32>
    %add3A_472 = arith.addf %add3A_457, %mul3A_471 : vector<128x128xf32>
    %get3A_473 = arith.constant 3 : index
    %get3A_474 = arith.constant 0 : index
    %get3A_475 = arith.constant 0 : index
    %get3A_476 = vector.load %arg0[%get3A_473, %get3A_474, %get3A_475] : memref<4x128x128xf32, #tpu.memory_space<vmem>>, vector<1x128x128xf32>
    %get3A_477 = vector.shape_cast %get3A_476 : vector<1x128x128xf32> to vector<128x128xf32>
    %convert_element_type3A_478 = arith.truncf %get3A_477 : vector<128x128xf32> to vector<128x128xbf16>
    %convert_element_type3A_479 = arith.extf %convert_element_type3A_478 : vector<128x128xbf16> to vector<128x128xf32>
    %get3A_480 = arith.constant 7 : index
    %get3A_481 = arith.constant 3 : index
    %get3A_482 = vector.load %arg1[%get3A_480, %get3A_481] : memref<8x4xf32, #tpu.memory_space<vmem>>, vector<1x1xf32>
    %convert_element_type3A_483 = arith.truncf %get3A_482 : vector<1x1xf32> to vector<1x1xbf16>
    %convert_element_type3A_484 = arith.extf %convert_element_type3A_483 : vector<1x1xbf16> to vector<1x1xf32>
    %mul3A_485 = vector.broadcast %convert_element_type3A_484 : vector<1x1xf32> to vector<128x128xf32>
    %mul3A_486 = arith.mulf %convert_element_type3A_479, %mul3A_485 : vector<128x128xf32>
    %add3A_487 = arith.addf %add3A_472, %mul3A_486 : vector<128x128xf32>
    %swap3A_488 = arith.constant 0 : index
    %swap3A_489 = arith.constant 896 : index
    %swap3A_490 = vector.load %arg3[%swap3A_488, %swap3A_489] : memref<128x1152xf32, #tpu.memory_space<vmem>>, vector<128x128xf32>
    tpu.vector_store %arg3[%swap3A_488, %swap3A_489], %add3A_487 {strides = array<i32>} : memref<128x1152xf32, #tpu.memory_space<vmem>>, vector<128x128xf32>,
    %get3A_491 = arith.constant 0 : index
    %get3A_492 = arith.constant 0 : index
    %get3A_493 = vector.load %arg2[%get3A_491, %get3A_492] : memref<128x128xf32, #tpu.memory_space<vmem>>, vector<128x128xf32>
    %swap3A_494 = arith.constant 0 : index
    %swap3A_495 = arith.constant 1024 : index
    %swap3A_496 = vector.load %arg3[%swap3A_494, %swap3A_495] : memref<128x1152xf32, #tpu.memory_space<vmem>>, vector<128x128xf32>
    tpu.vector_store %arg3[%swap3A_494, %swap3A_495], %get3A_493 {strides = array<i32>} : memref<128x1152xf32, #tpu.memory_space<vmem>>, vector<128x128xf32>,
    return
  }
}

module attributes {stable_mosaic.version = 14 : i64} {
  func.func @_mm_body(%arg0: i32, %arg1: memref<1000x128xf32, #tpu.memory_space<vmem>>, %arg2: memref<128x1152xf32, #tpu.memory_space<vmem>>, %arg3: memref<1000x1152xf32, #tpu.memory_space<vmem>>) attributes {dimension_semantics = [#tpu.dimension_semantics<arbitrary>], iteration_bounds = array<i64: 10>, scalar_prefetch = 0 : i64, scratch_operands = 0 : i64, tpu.core_type = #tpu.core_type<tc>, window_params = [{transform_indices = @transform_0, window_bounds = array<i64: 1000, 128>}, {pipeline_mode = #tpu.pipeline_mode<synchronous>, transform_indices = @transform_1, window_bounds = array<i64: 128, 1152>}, {transform_indices = @transform_2, window_bounds = array<i64: 1000, 1152>}]} {
    %get3A = arith.constant 0 : index
    %get3A_0 = arith.constant 0 : index
    %get3A_1 = vector.load %arg1[%get3A, %get3A_0] : memref<1000x128xf32, #tpu.memory_space<vmem>>, vector<1000x128xf32>
    %get3A_2 = arith.constant 0 : index
    %get3A_3 = arith.constant 0 : index
    %get3A_4 = vector.load %arg2[%get3A_2, %get3A_3] : memref<128x1152xf32, #tpu.memory_space<vmem>>, vector<128x1152xf32>
    %dot_general3A = arith.constant dense<0.000000e+00> : vector<1000x1152xf32>
    %dot_general3A_5 = tpu.matmul %get3A_1, %get3A_4, %dot_general3A {dimension_numbers = #tpu.dot_dimension_numbers<[1], [0], [0], [1], [0, 0, 1, 1], [], []>, transpose_lhs_hint = false} : vector<1000x128xf32>, vector<128x1152xf32>, vector<1000x1152xf32> -> vector<1000x1152xf32>
    %swap3A = arith.constant 0 : index
    %swap3A_6 = arith.constant 0 : index
    %swap3A_7 = vector.load %arg3[%swap3A, %swap3A_6] : memref<1000x1152xf32, #tpu.memory_space<vmem>>, vector<1000x1152xf32>
    tpu.vector_store %arg3[%swap3A, %swap3A_6], %dot_general3A_5 {strides = array<i32>} : memref<1000x1152xf32, #tpu.memory_space<vmem>>, vector<1000x1152xf32>,
    return
  }
  func.func @transform_0(%arg0: i32) -> (i32, i32) {
    %c0_i32 = arith.constant 0 : i32
    %c0_i32_0 = arith.constant 0 : i32
    return %arg0, %c0_i32 : i32, i32
  }
  func.func @transform_1(%arg0: i32) -> (i32, i32) {
    %c0_i32 = arith.constant 0 : i32
    %c0_i32_0 = arith.constant 0 : i32
    %c0_i32_1 = arith.constant 0 : i32
    return %c0_i32, %c0_i32_0 : i32, i32
  }
  func.func @transform_2(%arg0: i32) -> (i32, i32) {
    %c0_i32 = arith.constant 0 : i32
    %c0_i32_0 = arith.constant 0 : i32
    return %arg0, %c0_i32 : i32, i32
  }
}

module attributes {stable_mosaic.version = 14 : i64} {
  func.func @_comb_body(%arg0: i32, %arg1: memref<2x1000x128xf32, #tpu.memory_space<vmem>>, %arg2: memref<1000x128xf32, #tpu.memory_space<vmem>>, %arg3: memref<1x128xf32, #tpu.memory_space<vmem>>, %arg4: memref<1000x128xf32, #tpu.memory_space<vmem>>) attributes {dimension_semantics = [#tpu.dimension_semantics<arbitrary>], iteration_bounds = array<i64: 10>, scalar_prefetch = 0 : i64, scratch_operands = 0 : i64, tpu.core_type = #tpu.core_type<tc>, window_params = [{transform_indices = @transform_0, window_bounds = array<i64: 2, 1000, 128>}, {transform_indices = @transform_1, window_bounds = array<i64: 1000, 128>}, {pipeline_mode = #tpu.pipeline_mode<synchronous>, transform_indices = @transform_2, window_bounds = array<i64: 1, 128>}, {transform_indices = @transform_3, window_bounds = array<i64: 1000, 128>}]} {
    %get3A = arith.constant 0 : index
    %get3A_0 = arith.constant 0 : index
    %get3A_1 = arith.constant 0 : index
    %get3A_2 = vector.load %arg1[%get3A, %get3A_0, %get3A_1] : memref<2x1000x128xf32, #tpu.memory_space<vmem>>, vector<1x1000x128xf32>
    %get3A_3 = vector.shape_cast %get3A_2 : vector<1x1000x128xf32> to vector<1000x128xf32>
    %get3A_4 = arith.constant 1 : index
    %get3A_5 = arith.constant 0 : index
    %get3A_6 = arith.constant 0 : index
    %get3A_7 = vector.load %arg1[%get3A_4, %get3A_5, %get3A_6] : memref<2x1000x128xf32, #tpu.memory_space<vmem>>, vector<1x1000x128xf32>
    %get3A_8 = vector.shape_cast %get3A_7 : vector<1x1000x128xf32> to vector<1000x128xf32>
    %add3A = arith.addf %get3A_3, %get3A_8 : vector<1000x128xf32>
    %get3A_9 = arith.constant 0 : index
    %get3A_10 = arith.constant 0 : index
    %get3A_11 = vector.load %arg2[%get3A_9, %get3A_10] : memref<1000x128xf32, #tpu.memory_space<vmem>>, vector<1000x128xf32>
    %add3A_12 = arith.addf %add3A, %get3A_11 : vector<1000x128xf32>
    %get3A_13 = arith.constant 0 : index
    %get3A_14 = arith.constant 0 : index
    %get3A_15 = vector.load %arg3[%get3A_13, %get3A_14] : memref<1x128xf32, #tpu.memory_space<vmem>>, vector<1x128xf32>
    %add3A_16 = vector.broadcast %get3A_15 : vector<1x128xf32> to vector<1000x128xf32>
    %add3A_17 = arith.addf %add3A_12, %add3A_16 : vector<1000x128xf32>
    %max3A = arith.constant 0.000000e+00 : f32
    %max3A_18 = vector.broadcast %max3A : f32 to vector<1000x128xf32>
    %max3A_19 = arith.maximumf %add3A_17, %max3A_18 : vector<1000x128xf32>
    %swap3A = arith.constant 0 : index
    %swap3A_20 = arith.constant 0 : index
    %swap3A_21 = vector.load %arg4[%swap3A, %swap3A_20] : memref<1000x128xf32, #tpu.memory_space<vmem>>, vector<1000x128xf32>
    tpu.vector_store %arg4[%swap3A, %swap3A_20], %max3A_19 {strides = array<i32>} : memref<1000x128xf32, #tpu.memory_space<vmem>>, vector<1000x128xf32>,
    return
  }
  func.func @transform_0(%arg0: i32) -> (i32, i32, i32) {
    %c0_i32 = arith.constant 0 : i32
    %c0_i32_0 = arith.constant 0 : i32
    %c0_i32_1 = arith.constant 0 : i32
    return %c0_i32, %arg0, %c0_i32_0 : i32, i32, i32
  }
  func.func @transform_1(%arg0: i32) -> (i32, i32) {
    %c8_i32 = arith.constant 8 : i32
    %c0_i32 = arith.constant 0 : i32
    return %arg0, %c8_i32 : i32, i32
  }
  func.func @transform_2(%arg0: i32) -> (i32, i32) {
    %c0_i32 = arith.constant 0 : i32
    %c0_i32_0 = arith.constant 0 : i32
    %c0_i32_1 = arith.constant 0 : i32
    return %c0_i32, %c0_i32_0 : i32, i32
  }
  func.func @transform_3(%arg0: i32) -> (i32, i32) {
    %c0_i32 = arith.constant 0 : i32
    %c0_i32_0 = arith.constant 0 : i32
    return %arg0, %c0_i32 : i32, i32
  }
}

module attributes {stable_mosaic.version = 14 : i64} {
  func.func @_final_body(%arg0: i32, %arg1: memref<2x1000x128xf32, #tpu.memory_space<vmem>>, %arg2: memref<1000x128xf32, #tpu.memory_space<vmem>>, %arg3: memref<1x128xf32, #tpu.memory_space<vmem>>, %arg4: memref<128x64xf32, #tpu.memory_space<vmem>>, %arg5: memref<1x64xf32, #tpu.memory_space<vmem>>, %arg6: memref<1000x128xf32, #tpu.memory_space<vmem>>, %arg7: memref<1000x64xf32, #tpu.memory_space<vmem>>) attributes {dimension_semantics = [#tpu.dimension_semantics<arbitrary>], iteration_bounds = array<i64: 10>, scalar_prefetch = 0 : i64, scratch_operands = 0 : i64, tpu.core_type = #tpu.core_type<tc>, window_params = [{transform_indices = @transform_0, window_bounds = array<i64: 2, 1000, 128>}, {transform_indices = @transform_1, window_bounds = array<i64: 1000, 128>}, {pipeline_mode = #tpu.pipeline_mode<synchronous>, transform_indices = @transform_2, window_bounds = array<i64: 1, 128>}, {pipeline_mode = #tpu.pipeline_mode<synchronous>, transform_indices = @transform_3, window_bounds = array<i64: 128, 64>}, {pipeline_mode = #tpu.pipeline_mode<synchronous>, transform_indices = @transform_4, window_bounds = array<i64: 1, 64>}, {transform_indices = @transform_5, window_bounds = array<i64: 1000, 128>}, {transform_indices = @transform_6, window_bounds = array<i64: 1000, 64>}]} {
    %get3A = arith.constant 0 : index
    %get3A_0 = arith.constant 0 : index
    %get3A_1 = arith.constant 0 : index
    %get3A_2 = vector.load %arg1[%get3A, %get3A_0, %get3A_1] : memref<2x1000x128xf32, #tpu.memory_space<vmem>>, vector<1x1000x128xf32>
    %get3A_3 = vector.shape_cast %get3A_2 : vector<1x1000x128xf32> to vector<1000x128xf32>
    %get3A_4 = arith.constant 1 : index
    %get3A_5 = arith.constant 0 : index
    %get3A_6 = arith.constant 0 : index
    %get3A_7 = vector.load %arg1[%get3A_4, %get3A_5, %get3A_6] : memref<2x1000x128xf32, #tpu.memory_space<vmem>>, vector<1x1000x128xf32>
    %get3A_8 = vector.shape_cast %get3A_7 : vector<1x1000x128xf32> to vector<1000x128xf32>
    %add3A = arith.addf %get3A_3, %get3A_8 : vector<1000x128xf32>
    %get3A_9 = arith.constant 0 : index
    %get3A_10 = arith.constant 0 : index
    %get3A_11 = vector.load %arg2[%get3A_9, %get3A_10] : memref<1000x128xf32, #tpu.memory_space<vmem>>, vector<1000x128xf32>
    %add3A_12 = arith.addf %add3A, %get3A_11 : vector<1000x128xf32>
    %get3A_13 = arith.constant 0 : index
    %get3A_14 = arith.constant 0 : index
    %get3A_15 = vector.load %arg3[%get3A_13, %get3A_14] : memref<1x128xf32, #tpu.memory_space<vmem>>, vector<1x128xf32>
    %add3A_16 = vector.broadcast %get3A_15 : vector<1x128xf32> to vector<1000x128xf32>
    %add3A_17 = arith.addf %add3A_12, %add3A_16 : vector<1000x128xf32>
    %max3A = arith.constant 0.000000e+00 : f32
    %max3A_18 = vector.broadcast %max3A : f32 to vector<1000x128xf32>
    %max3A_19 = arith.maximumf %add3A_17, %max3A_18 : vector<1000x128xf32>
    %swap3A = arith.constant 0 : index
    %swap3A_20 = arith.constant 0 : index
    %swap3A_21 = vector.load %arg6[%swap3A, %swap3A_20] : memref<1000x128xf32, #tpu.memory_space<vmem>>, vector<1000x128xf32>
    tpu.vector_store %arg6[%swap3A, %swap3A_20], %max3A_19 {strides = array<i32>} : memref<1000x128xf32, #tpu.memory_space<vmem>>, vector<1000x128xf32>,
    %get3A_22 = arith.constant 0 : index
    %get3A_23 = arith.constant 0 : index
    %get3A_24 = vector.load %arg4[%get3A_22, %get3A_23] : memref<128x64xf32, #tpu.memory_space<vmem>>, vector<128x64xf32>
    %dot_general3A = arith.constant dense<0.000000e+00> : vector<1000x64xf32>
    %dot_general3A_25 = tpu.matmul %max3A_19, %get3A_24, %dot_general3A {dimension_numbers = #tpu.dot_dimension_numbers<[1], [0], [0], [1], [0, 0, 1, 1], [], []>, transpose_lhs_hint = false} : vector<1000x128xf32>, vector<128x64xf32>, vector<1000x64xf32> -> vector<1000x64xf32>
    %get3A_26 = arith.constant 0 : index
    %get3A_27 = arith.constant 0 : index
    %get3A_28 = vector.load %arg5[%get3A_26, %get3A_27] : memref<1x64xf32, #tpu.memory_space<vmem>>, vector<1x64xf32>
    %add3A_29 = vector.broadcast %get3A_28 : vector<1x64xf32> to vector<1000x64xf32>
    %add3A_30 = arith.addf %dot_general3A_25, %add3A_29 : vector<1000x64xf32>
    %swap3A_31 = arith.constant 0 : index
    %swap3A_32 = arith.constant 0 : index
    %swap3A_33 = vector.load %arg7[%swap3A_31, %swap3A_32] : memref<1000x64xf32, #tpu.memory_space<vmem>>, vector<1000x64xf32>
    tpu.vector_store %arg7[%swap3A_31, %swap3A_32], %add3A_30 {strides = array<i32>} : memref<1000x64xf32, #tpu.memory_space<vmem>>, vector<1000x64xf32>,
    return
  }
  func.func @transform_0(%arg0: i32) -> (i32, i32, i32) {
    %c0_i32 = arith.constant 0 : i32
    %c0_i32_0 = arith.constant 0 : i32
    %c0_i32_1 = arith.constant 0 : i32
    return %c0_i32, %arg0, %c0_i32_0 : i32, i32, i32
  }
  func.func @transform_1(%arg0: i32) -> (i32, i32) {
    %c8_i32 = arith.constant 8 : i32
    %c0_i32 = arith.constant 0 : i32
    return %arg0, %c8_i32 : i32, i32
  }
  func.func @transform_2(%arg0: i32) -> (i32, i32) {
    %c0_i32 = arith.constant 0 : i32
    %c0_i32_0 = arith.constant 0 : i32
    %c0_i32_1 = arith.constant 0 : i32
    return %c0_i32, %c0_i32_0 : i32, i32
  }
  func.func @transform_3(%arg0: i32) -> (i32, i32) {
    %c0_i32 = arith.constant 0 : i32
    %c0_i32_0 = arith.constant 0 : i32
    %c0_i32_1 = arith.constant 0 : i32
    return %c0_i32, %c0_i32_0 : i32, i32
  }
  func.func @transform_4(%arg0: i32) -> (i32, i32) {
    %c0_i32 = arith.constant 0 : i32
    %c0_i32_0 = arith.constant 0 : i32
    %c0_i32_1 = arith.constant 0 : i32
    return %c0_i32, %c0_i32_0 : i32, i32
  }
  func.func @transform_5(%arg0: i32) -> (i32, i32) {
    %c0_i32 = arith.constant 0 : i32
    %c0_i32_0 = arith.constant 0 : i32
    return %arg0, %c0_i32 : i32, i32
  }
  func.func @transform_6(%arg0: i32) -> (i32, i32) {
    %c0_i32 = arith.constant 0 : i32
    %c0_i32_0 = arith.constant 0 : i32
    return %arg0, %c0_i32 : i32, i32
  }
}

</mosaic_0001>

<sc_bundles>
// kernel: kernel.10.cloned.1.call-start
scs
__scs_entry_jumppad:
0x0: {  	(pc) =	sbr.rel $0x88, $3  }
0x1: {  	(tag) =	ssettag $0x0;
	lr =	simm.s32 $0x1  }
0x2: {  	[smem:$0x3F94] =	sst lr;
	_ =	strace $0xD0000000  }
0x3: {  	_ = 	snop  }
0x4: {  	_ = 	snop  }
0x5: {  	_ = 	snop  }
0x6: {  	_ = 	snop  }
0x7: {  	_ = 	snop  }
__scs_overlays_trampoline_lowered:
0x8: {  	[smem:$0x3FA3] =	sst s0  }
0x9: {  	[smem:$0x3FA4] =	sst s1  }
0xa: {  	[smem:$0x3FA5] =	sst s2  }
0xb: {  	[smem:$0x3FA6] =	sst s3  }
0xc: {  	[smem:$0x3FA7] =	sst s4  }
0xd: {  	[smem:$0x3FA8] =	sst s5  }
0xe: {  	[smem:$0x3FA9] =	sst s6  }
0xf: {  	[smem:$0x3FAA] =	sst s7  }
0x10: {  	[smem:$0x3FAB] =	sst s8  }
0x11: {  	[smem:$0x3FAC] =	sst s9;
	s0 =	simm.s32 @!p0 $0x0  }
0x12: {  	s1 =	sld [smem:$0x3F92];
	s0 =	simm.s32 @p0 $0x1  }
0x13: {  	[smem:$0x3FAD] =	sst s0;
	s0 =	simm.s32 @!p1 $0x0  }
0x14: {  	s2 =	sld [smem:$0x3F91];
	s0 =	simm.s32 @p1 $0x1  }
0x15: {  	[smem:$0x3FAE] =	sst s0;
	s0 =	simm.s32 @!p2 $0x0  }
0x16: {  	s3 =	sld [smem:$0x3FDB];
	s0 =	simm.s32 @p2 $0x1  }
0x17: {  	s4 =	simm.s32 $0x1BF5;
	[smem:$0x3FB0] =	sst s0  }
0x18: {  	s0 =	sld [smem:$0x3F93];
	_ =	swait.ge [sflag:s4], $0x0  }
0x19: {  	s7 =	sld [smem:$0x3F94]  }
0x1a: {  	s8 =	sadd.s32 $0xFFFFE003, lr  }
0x1b: {  	s9 =	sadd.s32 $0xFFFFFEF7, lr;
	s5 =	simm.s32 $0xFFFFFFFF;
	p2 =	slt.u32 s8, $0xFFFFF086  }
0x1c: {  	p1 =	slt.u32 s9, $0xF7A;
	s5 =	simm.s32 @!p2 $0x0  }
0x1d: {  	s5 =	simm.s32 @p1 $0x1;
	p0 =	seq.s32 s7, s2  }
0x1e: {  	s7 =	smul.u32 @!p0 $0xF7A, s2;
	p2 =	seq.s32 @!p0 s5, $0x0  }
0x1f: {  	s9 =	smul.u32 $0xF7A, s1;
	s8 =	simm.s32 @!p0 $0x1BF5;
	p2 =	por !p2, p0  }
0x20: {  	[sflag:s8] =	ssyncset.s32 @!p0 $0xFFFFF086;
	s6 =	sadd.s32 @!p0 s3, s7;
	s7 =	simm.s32 @!p0 $0x108  }
0x21: {  	s3 =	sadd.s32 s3, s9;
	s6 =	sadd.s32 @!p0 $0x88, s6;
	s7 =	simm.s32 @p2 $0x1082  }
0x22: {  	[simem:s7], [sflag:s8] =	dma.local @!p0 [hbm:s6], $0xF7A  }
0x23: {  	s9 =	sor.u32 $0xD0000000, s2;
	s6 =	simm.s32 $0x108;
	_ =	swait.ge @!p0 [sflag:s8], $0x0  }
0x24: {  	s3 =	sadd.s32 $0x88, s3;
	s6 =	simm.s32 @!p1 $0x1082;
	[sflag:s4] =	ssyncset.s32 $0xFFFFF086  }
0x25: {  	[simem:s6], [sflag:s4] =	dma.local [hbm:s3], $0xF7A  }
0x26: {  	[smem:$0x3F94] =	sst s1;
	(tag) =	ssettag s2;
	_ =	strace s9  }
0x27: {  	s1 =	sld [smem:$0x3FA4]  }
0x28: {  	s2 =	sld [smem:$0x3FA5]  }
0x29: {  	s4 =	sld [smem:$0x3FA7]  }
0x2a: {  	p0 =	seq.s32 s5, $0x0;
	s5 =	sld [smem:$0x3FA8]  }
0x2b: {  	s6 =	sld [smem:$0x3FA9]  }
0x2c: {  	s7 =	sld [smem:$0x3FAA]  }
0x2d: {  	s3 =	simm.s32 $0x108;
	s8 =	sld [smem:$0x3FAB]  }
0x2e: {  	s3 =	simm.s32 @!p0 $0x1082;
	s9 =	sld [smem:$0x3FAC]  }
0x2f: {  	lr =	sadd.s32 s0, s3;
	s0 =	sld [smem:$0x3FA3]  }
0x30: {  	s3 =	sld [smem:$0x3FA6]  }
0x31: {  	[smem:$0x3FAF] =	sst s10  }
0x32: {  	s10 =	sld [smem:$0x3FAD];
	_ =	sdelay $0x3  }
0x33: {  	p0 =	seq.s32 s10, $0x1;
	s10 =	sld [smem:$0x3FAF];
	_ =	sdelay $0x3  }
0x34: {  	[smem:$0x3FAF] =	sst s10  }
0x35: {  	s10 =	sld [smem:$0x3FAE];
	_ =	sdelay $0x3  }
0x36: {  	p1 =	seq.s32 s10, $0x1;
	s10 =	sld [smem:$0x3FAF];
	_ =	sdelay $0x3  }
0x37: {  	[smem:$0x3FAF] =	sst s10  }
0x38: {  	s10 =	sld [smem:$0x3FB0]  }
0x39: {  	_ = 	snop;
	(pc) =	sbr.ind lr, $3  }
0x3a: {  	_ = 	snop  }
0x3b: {  	_ = 	snop  }
0x3c: {  	p2 =	seq.s32 s10, $0x1;
	s10 =	sld [smem:$0x3FAF]  }
0x3d: {  	_ =	shalt  }
0x3e: {  	_ =	shalt  }
0x3f: {  	_ =	shalt  }
0x40: {  	_ =	shalt  }
0x41: {  	_ =	shalt  }
0x42: {  	_ =	shalt  }
0x43: {  	_ =	shalt  }
0x44: {  	_ =	shalt  }
0x45: {  	_ =	shalt  }
0x46: {  	_ =	shalt  }
0x47: {  	_ =	shalt  }
0x48: {  	_ =	shalt  }
0x49: {  	_ =	shalt  }
0x4a: {  	_ =	shalt  }
0x4b: {  	_ =	shalt  }
0x4c: {  	_ =	shalt  }
0x4d: {  	_ =	shalt  }
0x4e: {  	_ =	shalt  }
0x4f: {  	_ =	shalt  }
0x50: {  	_ =	shalt  }
0x51: {  	_ =	shalt  }
0x52: {  	_ =	shalt  }
0x53: {  	_ =	shalt  }
0x54: {  	_ =	shalt  }
0x55: {  	_ =	shalt  }
0x56: {  	_ =	shalt  }
0x57: {  	_ =	shalt  }
0x58: {  	_ =	shalt  }
0x59: {  	_ =	shalt  }
0x5a: {  	_ =	shalt  }
0x5b: {  	_ =	shalt  }
0x5c: {  	_ =	shalt  }
0x5d: {  	_ =	shalt  }
0x5e: {  	_ =	shalt  }
0x5f: {  	_ =	shalt  }
0x60: {  	_ =	shalt  }
0x61: {  	_ =	shalt  }
0x62: {  	_ =	shalt  }
0x63: {  	_ =	shalt  }
0x64: {  	_ =	shalt  }
0x65: {  	_ =	shalt  }
0x66: {  	_ =	shalt  }
0x67: {  	_ =	shalt  }
0x68: {  	_ =	shalt  }
0x69: {  	_ =	shalt  }
0x6a: {  	_ =	shalt  }
0x6b: {  	_ =	shalt  }
0x6c: {  	_ =	shalt  }
0x6d: {  	_ =	shalt  }
0x6e: {  	_ =	shalt  }
0x6f: {  	_ =	shalt  }
0x70: {  	_ =	shalt  }
0x71: {  	_ =	shalt  }
0x72: {  	_ =	shalt  }
0x73: {  	_ =	shalt  }
0x74: {  	_ =	shalt  }
0x75: {  	_ =	shalt  }
0x76: {  	_ =	shalt  }
0x77: {  	_ =	shalt  }
0x78: {  	_ =	shalt  }
0x79: {  	_ =	shalt  }
0x7a: {  	_ =	shalt  }
0x7b: {  	_ =	shalt  }
0x7c: {  	_ =	shalt  }
0x7d: {  	_ =	shalt  }
0x7e: {  	_ =	shalt  }
0x7f: {  	_ =	shalt  }
0x80: {  	_ =	shalt  }
0x81: {  	_ =	shalt  }
0x82: {  	_ =	shalt  }
0x83: {  	_ =	shalt  }
0x84: {  	_ =	shalt  }
0x85: {  	_ =	shalt  }
0x86: {  	_ =	shalt  }
0x87: {  	_ =	shalt  }
.Lfunc_end0:
.L_simem_size_0:
called_computation_lowered:
.L_overlay_start_0:
0x88: {  	s2 =	sld [smem:$0x3FD9]  }
0x89: {  	s3 =	sld [smem:$0x3FFE];
	_ =	sdelay $0x1  }
0x8a: {  	s1 =	srdreg.scid  }
0x8b: {  	s0 =	sand.u32 $0x1, s1  }
0x8c: {  	s14 =	sshll.u32 s0, $0xA;
	s2 =	sadd.s32 s3, s2  }
0x8d: {  	s2 =	sadd.s32 s2, s14  }
0x8e: {  	[smem:$0x3FBB] =	sst s2  }
0x8f: {  	_ = 	snop  }
0x90: {  	s2 =	sld [smem:$0x3FD0];
	_ =	sdelay $0x2  }
0x91: {  	s15 =	simm.s32 $0xA;
	s4 =	simm.s32 $0x10  }
0x92: {  	[smem:s4], [sflag:s15] =	dma.local [hbm:s2], $0x1  }
0x93: {  	_ =	swait.eq [sflag:s15], $0x1  }
0x94: {  	[sflag:s15] =	ssyncset.done $0x0  }
0x95: {  	s16 =	sld [smem:$0x10];
	[sflag:s15] =	ssyncadd.s32 $0xFFFFFFFF  }
0x96: {  	s17 =	sld [smem:$0x11];
	(tm) =	ssettm $0x1  }
0x97: {  	s18 =	sld [smem:$0x3FFB];
	_ =	sdelay $0x3  }
0x98: {  	_ =	strace s18  }
0x99: {  	s4 =	sld [smem:$0x3FFC];
	_ =	sdelay $0x3  }
0x9a: {  	_ =	strace s4  }
0x9b: {  	s4 =	sld [smem:$0x3FFD];
	_ =	sdelay $0x3  }
0x9c: {  	_ =	strace s4  }
0x9d: {  	_ =	strace $0x8FFFFFFF  }
0x9e: {  	s19 =	sld [smem:$0x3FDB];
	_ =	sdelay $0x1  }
0x9f: {  	s5 =	simm.s32 $_scs_section_size  }
0xa0: {  	s6 =	simm.s32 $_size__tile_overlayer_lowered;
	s7 =	simm.s32 $_tile_overlayer_lowered  }
0xa1: {  	s22 =	simm.s32 $0x1BFF;
	s21 =	sshll.u32 s7, $0x1;
	s4 =	sadd.s32 s5, s19  }
0xa2: {  	s8 =	simm.s32 $0x0;
	s20 =	sshll.u32 s6, $0x1;
	s6 =	sadd.s32 s21, s4  }
0xa3: {  	[timem:s8], [sflag:s22] =	dma.local [hbm:s6], s20  }
0xa4: {  	_ =	swait.ge [sflag:s22], s20  }
0xa5: {  	s5 =	ssub.s32 $0x0, s20;
	[sflag:s22] =	ssyncset.done $0x0  }
0xa6: {  	[sflag:s22] =	ssyncadd.s32 s5;
	_ =	sdelay $0x1  }
0xa7: {  	s23 =	simm.s32 $0x1B8B  }
0xa8: {  	_ =	swait.ge [sflag:s23], $0x1  }
0xa9: {  	[sflag:s23] =	ssyncset.done $0x0  }
0xaa: {  	s25 =	simm.s32 $0x1B8E;
	s24 =	sld [smem:$0x3FFE];
	[sflag:s23] =	ssyncadd.s32 $0xFFFFFFFF  }
0xab: {  	s26 =	simm.s32 $execute0_lowered;
	[smem:$0x3FD2] =	sst s25  }
0xac: {  	s6 =	sshll.u32 s26, $0x1;
	_ =	strace $0x80000046;
	[dreg:$0x1] =	wrdreg $0xFFFFFFFF  }
0xad: {  	s28 =	simm.s32 $_size_execute0_lowered;
	s4 =	sadd.s32 s4, s6;
	[dreg:$0x0] =	wrdreg $0x0  }
0xae: {  	s6 =	sshll.u32 s28, $0x1;
	[dreg:$0x2] =	wrdreg s4  }
0xaf: {  	[dreg:$0x3] =	wrdreg s6  }
0xb0: {  	[dreg:$0x4] =	wrdreg $0xC0  }
0xb1: {  	_ =	task [dreg:s8], $0x5FFFF  }
0xb2: {  	[dreg:$0x1] =	wrdreg $0xFFFFFFFF  }
0xb3: {  	[dreg:$0x0] =	wrdreg $0x60  }
0xb4: {  	[dreg:$0x2] =	wrdreg s24  }
0xb5: {  	[dreg:$0x3] =	wrdreg s16  }
0xb6: {  	[dreg:$0x4] =	wrdreg s17  }
0xb7: {  	[dreg:$0x5] =	wrdreg $0x90000  }
0xb8: {  	[dreg:$0x6] =	wrdreg $0x9  }
0xb9: {  	_ =	task.clear_ibuf [dreg:s8], $0x7FFFF;
	_ =	strace $0x90000046  }
0xba: {  	s29 =	simm.s32 $0x9;
	_ =	strace $0x80000048  }
0xbb: {  	_ =	swait.ge [sflag:s29], $0x1  }
0xbc: {  	[sflag:s29] =	ssyncadd.s32 $0xFFFFFFFF  }
0xbd: {  	_ =	strace $0x90000048  }
0xbe: {  	_ =	sfence  }
0xbf: {  	s30 =	sld [smem:$0x0];
	_ =	sdelay $0x2  }
0xc0: {  	s31 =	sshll.u32 s1, $0xD;
	s1 =	sshrl.u32 s1, $0x2  }
0xc1: {  	s3 =	sand.u32 $0x4000, s31;
	s1 =	sadd.s32 s1, s30  }
0xc2: {  	s0 =	sor.u32 s3, s0;
	s1 =	sshll.u32 s1, $0x11  }
0xc3: {  	s0 =	sor.u32 s1, s0  }
0xc4: {  	s0 =	sadd.s32 $0x8F2B, s0  }
0xc5: {  	[sflag:s0] =	ssyncadd.remote.s32 $0x1  }
0xc6: {  	_ =	sfence.sel $0xFFFF  }
0xc7: {  	[dreg:$0x0] =	wrdreg $0xFFFFFFFF;
	(pc) =	sbr.abs _section_cstart, $3  }
0xc8: {  	[dreg:$0x1] =	wrdreg $0xFFFFFFFF  }
0xc9: {  	_ =	task.clear_ibuf [dreg:s8], $0x2FFFF;
	_ =	strace $0x9FFFFFFF  }
0xca: {  	(tm) =	ssettm $0x7FFFFFFF  }
0xcb: {  	_ =	shalt  }
tec
execute0_lowered:
.L_overlay_start_1:
0x0: {  	(tag) =	ssettag $0x1  }
0x1: {  	s5 =	rddreg [dreg:$0x0]  }
0x2: {  	s7 =	rddreg [dreg:$0x1]  }
0x3: {  	s8 =	rddreg [dreg:$0x2];
	s0 =	stileid.u32  }
0x4: {  	s1 =	srdreg.scid;
	s2 =	rddreg [dreg:$0x3]  }
0x5: {  	s3 =	simm.s32 $0x0;
	s14 =	simm.s32 $0x80;
	s15 =	simm.s32 $0x5000  }
0x6: {  	s16 =	simm.s32 $0x1;
	s17 =	simm.s32 $0x0;
	s4 =	smul.u32 $0x13C00, s0  }
0x7: {  	s6 =	sand.u32 $0x1, s1;
	s1 =	rddreg [dreg:$0x4];
	s12 =	smul.u32 $0x4F000, s0  }
0x8: {  	[smem:$0x7FF] =	sst s3;
	s31 =	sshll.u32 s0, $0x6;
	s9 =	smul.u32 $0x13C000, s6  }
0x9: {  	_ =	strace $0x80000047;
	s11 =	ssub.s32 $0x2, s6;
	s6 =	sshll.u32 s6, $0x4  }
0xa: {  	s10 =	sshrl.u32 s4, $0x3;
	s28 =	sshrl.u32 s11, $0x1;
	s6 =	sor.u32 s0, s6  }
0xb: {  	s29 =	sshrl.u32 s12, $0x2;
	s12 =	simm.s32 $0x2;
	s9 =	sadd.s32 s4, s9  }
0xc: {  	s4 =	sadd.s32 $0x161E00, s5;
	s10 =	sadd.s32 s10, s5;
	s11 =	ssub.s32 s11, s28  }
0xd: {  	s30 =	smul.u32 $0x500, s6;
	s13 =	sadd.s32 s29, s2;
	s9 =	sshrl.u32 s9, $0x3  }
0xe: {  	s6 =	sor.u32 $0x1C02, s31;
	s9 =	sadd.s32 s9, s5;
	s5 =	sadd.s32 $0x2C1800, s10  }
0xf: {  	s7 =	sadd.s32 s7, s30;
	s8 =	sadd.s32 s8, s30;
	s10 =	smax.u32 s11, $0x1  }
0x10: {  	s11 =	sshrl.u32 s13, $0x3;
	s13 =	simm.s32 $0x2800;
	s9 =	sadd.s32 $0x2E9000, s9  }
.LBB2_1:
0x11: {  	[spmem:s11], [sflag:s6] =	dma.local [hbm:s5], $0x2780  }
0x12: {  	_ =	swait.ge [sflag:s12], $0x2780  }
0x13: {  	[sflag:s12] =	ssyncset.done $0x0  }
0x14: {  	[sflag:s12] =	ssyncadd.s32 $0xFFFFD880  }
0x15: {  	[tilespmem:s3], [sflag:$0x2] =	stream.linear.gather [hbm4b:s7+s3], $0x2780, $0x38;
	[tilespmem:$0x1CC00] =	vst v63  }
0x16: {  	_ =	swait.ge [sflag:s12], $0x2780  }
0x17: {  	[sflag:s12] =	ssyncset.done $0x0  }
0x18: {  	[sflag:s12] =	ssyncadd.s32 $0xFFFFD880  }
0x19: {  	[tilespmem:s13], [sflag:$0x2] =	stream.linear.gather [hbm4b:s8+s3], $0x2780, $0x38;
	[tilespmem:$0x1CC00] =	vst v63  }
0x1a: {  	_ =	swait.ge [sflag:s12], $0x2780  }
0x1b: {  	[sflag:s12] =	ssyncset.done $0x0  }
0x1c: {  	[sflag:s12] =	ssyncadd.s32 $0xFFFFD880  }
0x1d: {  	s18 =	simm.s32 $0x0;
	[bflag:$0x0] =	sbarrier.arrive $0xFFFF  }
0x1e: {  	[tilespmem:s15], [sflag:$0x1] =	stream.indirect.gather [hbm4b:s4+s14], $0x80, s18, s14, $0xb8;
	[tilespmem:$0x1CC00] =	vst v63  }
0x1f: {  	_ =	swait.ge [sflag:s16], $0x4000  }
0x20: {  	[sflag:s16] =	ssyncset.done $0x0  }
0x21: {  	s31 =	simm.s32 $0x2800;
	[sflag:s16] =	ssyncadd.s32 $0xFFFFC000  }
0x22: {  	[spmem:s2] =	stream.indirect.scatter.add.f32 [tilespmem:s15], [sflag:$0x2], $0x80, s31, s14, $0xb8;
	[tilespmem:$0x1CC00] =	vst v63  }
0x23: {  	_ =	swait.ge [sflag:s12], $0x4000  }
0x24: {  	s19 =	simm.s32 $0x400;
	s18 =	simm.s32 $0x200;
	[sflag:s12] =	ssyncset.done $0x0  }
.LBB2_2:
0x25: {  	s20 =	sshra.s32 s18, $0x2  }
0x26: {  	[sflag:s12] =	ssyncadd.s32 $0xFFFFC000;
	s18 =	smov.u32 s19;
	s21 =	sadd.s32 $0x200, s19  }
0x27: {  	[tilespmem:s15], [sflag:$0x1] =	stream.indirect.gather [hbm4b:s4+s14], $0x80, s20, s14, $0xb8;
	[tilespmem:$0x1CC00] =	vst v63  }
0x28: {  	p0 =	sne.s32 s19, $0x9C00;
	_ =	swait.ge [sflag:s16], $0x4000  }
.Ltmp0:
0x29: {  	[sflag:s16] =	ssyncset.done $0x0;
	(pc) =	sbr.rel @p0 .LBB2_2-.Ltmp0, $4  }
0x2a: {  	s19 =	sadd.s32 $0x2800, s20;
	[sflag:s16] =	ssyncadd.s32 $0xFFFFC000  }
0x2b: {  	[spmem:s2] =	stream.indirect.scatter.add.f32 [tilespmem:s15], [sflag:$0x2], $0x80, s19, s14, $0xb8;
	[tilespmem:$0x1CC00] =	vst v63  }
0x2c: {  	_ =	swait.ge [sflag:s12], $0x4000  }
0x2d: {  	s19 =	smov.u32 s21;
	[sflag:s12] =	ssyncset.done $0x0  }
0x2e: {  	s18 =	sshra.s32 s18, $0x2;
	[sflag:s12] =	ssyncadd.s32 $0xFFFFC000  }
0x2f: {  	[tilespmem:s15], [sflag:$0x1] =	stream.indirect.gather [hbm4b:s4+s14], $0x80, s18, s14, $0xb8;
	[tilespmem:$0x1CC00] =	vst v63  }
0x30: {  	_ =	swait.ge [sflag:s16], $0x4000  }
0x31: {  	[sflag:s16] =	ssyncset.done $0x0  }
0x32: {  	s18 =	sadd.s32 $0x2800, s18;
	[sflag:s16] =	ssyncadd.s32 $0xFFFFC000  }
0x33: {  	[spmem:s2] =	stream.indirect.scatter.add.f32 [tilespmem:s15], [sflag:$0x2], $0x80, s18, s14, $0xb8;
	[tilespmem:$0x1CC00] =	vst v63  }
0x34: {  	_ =	swait.ge [sflag:s12], $0x4000  }
0x35: {  	s17 =	sadd.s32 $0x1, s17;
	[sflag:s12] =	ssyncset.done $0x0  }
0x36: {  	p0 =	sne.s32 s17, s10;
	[sflag:s12] =	ssyncadd.s32 $0xFFFFC000  }
.Ltmp1:
0x37: {  	[bflag:$0x0] =	sbarrier.arrive $0xFFFF;
	(pc) =	sbr.rel @p0 .LBB2_1-.Ltmp1, $4  }
0x38: {  	[hbm:s9], [sflag:s6] =	dma.local [spmem:s11], $0x2780  }
0x39: {  	_ =	swait.ge [sflag:s12], $0x2780  }
0x3a: {  	[sflag:s12] =	ssyncset.done $0x0  }
0x3b: {  	[sflag:s12] =	ssyncadd.s32 $0xFFFFD880  }
0x3c: {  	_ =	sfence.sel $0x180000  }
0x3d: {  	[bflag:$0x0] =	sbarrier.arrive $0xFFFF  }
0x3e: {  	p0 =	sne.s32 s0, $0x0;
	_ =	strace $0x90000047  }
0x3f: {  	s0 =	sadd.s32 @!p0 $0x100000, s1;
	[bflag:$0x2] =	sbarrier.arrive $0xFFFF  }
0x40: {  	[sflag:s0] =	ssyncadd.tile.s32 @!p0 $0x1;
	_ =	shalt  }
.Lfunc_end2:
_tile_overlayer_lowered:
.L_overlay_start_2:
0x41: {  	(tag) =	ssettag $0x2  }
0x42: {  	s0 =	rddreg [dreg:$0x0];
	s2 =	stileid.u32  }
0x43: {  	s1 =	rddreg [dreg:$0x1];
	p0 =	sne.s32 s2, $0x0  }
0x44: {  	s3 =	rddreg [dreg:$0x2];
	[bflag:$0x3] =	sbarrier.arrive $0xFFFF;
	s2 =	simm.s32 @!p0 $0x1C02  }
0x45: {  	[timem:s3], [sflag:s2] =	dma.local @!p0 [hbm:s0], s1  }
0x46: {  	s0 =	simm.s32 @!p0 $0x2  }
0x47: {  	_ =	swait.ge @!p0 [sflag:s0], s1  }
0x48: {  	s1 =	ssub.s32 @!p0 $0x0, s1;
	[sflag:s0] =	ssyncset.done @!p0 $0x0  }
0x49: {  	[sflag:s0] =	ssyncadd.s32 @!p0 s1  }
0x4a: {  	[bflag:$0x3] =	sbarrier.arrive $0xFFFF  }
0x4b: {  	_ =	shalt  }

// kernel: kernel.13.cloned.1.call-start
scs
__scs_entry_jumppad:
0x0: {  	(pc) =	sbr.rel $0x88, $3  }
0x1: {  	(tag) =	ssettag $0x0;
	lr =	simm.s32 $0x1  }
0x2: {  	[smem:$0x3F94] =	sst lr;
	_ =	strace $0xD0000000  }
0x3: {  	_ = 	snop  }
0x4: {  	_ = 	snop  }
0x5: {  	_ = 	snop  }
0x6: {  	_ = 	snop  }
0x7: {  	_ = 	snop  }
__scs_overlays_trampoline_lowered:
0x8: {  	[smem:$0x3FA3] =	sst s0  }
0x9: {  	[smem:$0x3FA4] =	sst s1  }
0xa: {  	[smem:$0x3FA5] =	sst s2  }
0xb: {  	[smem:$0x3FA6] =	sst s3  }
0xc: {  	[smem:$0x3FA7] =	sst s4  }
0xd: {  	[smem:$0x3FA8] =	sst s5  }
0xe: {  	[smem:$0x3FA9] =	sst s6  }
0xf: {  	[smem:$0x3FAA] =	sst s7  }
0x10: {  	[smem:$0x3FAB] =	sst s8  }
0x11: {  	[smem:$0x3FAC] =	sst s9;
	s0 =	simm.s32 @!p0 $0x0  }
0x12: {  	s1 =	sld [smem:$0x3F92];
	s0 =	simm.s32 @p0 $0x1  }
0x13: {  	[smem:$0x3FAD] =	sst s0;
	s0 =	simm.s32 @!p1 $0x0  }
0x14: {  	s2 =	sld [smem:$0x3F91];
	s0 =	simm.s32 @p1 $0x1  }
0x15: {  	[smem:$0x3FAE] =	sst s0;
	s0 =	simm.s32 @!p2 $0x0  }
0x16: {  	s3 =	sld [smem:$0x3FDB];
	s0 =	simm.s32 @p2 $0x1  }
0x17: {  	s4 =	simm.s32 $0x1BF5;
	[smem:$0x3FB0] =	sst s0  }
0x18: {  	s0 =	sld [smem:$0x3F93];
	_ =	swait.ge [sflag:s4], $0x0  }
0x19: {  	s7 =	sld [smem:$0x3F94]  }
0x1a: {  	s8 =	sadd.s32 $0xFFFFE003, lr  }
0x1b: {  	s9 =	sadd.s32 $0xFFFFFEF7, lr;
	s5 =	simm.s32 $0xFFFFFFFF;
	p2 =	slt.u32 s8, $0xFFFFF086  }
0x1c: {  	p1 =	slt.u32 s9, $0xF7A;
	s5 =	simm.s32 @!p2 $0x0  }
0x1d: {  	s5 =	simm.s32 @p1 $0x1;
	p0 =	seq.s32 s7, s2  }
0x1e: {  	s7 =	smul.u32 @!p0 $0xF7A, s2;
	p2 =	seq.s32 @!p0 s5, $0x0  }
0x1f: {  	s9 =	smul.u32 $0xF7A, s1;
	s8 =	simm.s32 @!p0 $0x1BF5;
	p2 =	por !p2, p0  }
0x20: {  	[sflag:s8] =	ssyncset.s32 @!p0 $0xFFFFF086;
	s6 =	sadd.s32 @!p0 s3, s7;
	s7 =	simm.s32 @!p0 $0x108  }
0x21: {  	s3 =	sadd.s32 s3, s9;
	s6 =	sadd.s32 @!p0 $0x88, s6;
	s7 =	simm.s32 @p2 $0x1082  }
0x22: {  	[simem:s7], [sflag:s8] =	dma.local @!p0 [hbm:s6], $0xF7A  }
0x23: {  	s9 =	sor.u32 $0xD0000000, s2;
	s6 =	simm.s32 $0x108;
	_ =	swait.ge @!p0 [sflag:s8], $0x0  }
0x24: {  	s3 =	sadd.s32 $0x88, s3;
	s6 =	simm.s32 @!p1 $0x1082;
	[sflag:s4] =	ssyncset.s32 $0xFFFFF086  }
0x25: {  	[simem:s6], [sflag:s4] =	dma.local [hbm:s3], $0xF7A  }
0x26: {  	[smem:$0x3F94] =	sst s1;
	(tag) =	ssettag s2;
	_ =	strace s9  }
0x27: {  	s1 =	sld [smem:$0x3FA4]  }
0x28: {  	s2 =	sld [smem:$0x3FA5]  }
0x29: {  	s4 =	sld [smem:$0x3FA7]  }
0x2a: {  	p0 =	seq.s32 s5, $0x0;
	s5 =	sld [smem:$0x3FA8]  }
0x2b: {  	s6 =	sld [smem:$0x3FA9]  }
0x2c: {  	s7 =	sld [smem:$0x3FAA]  }
0x2d: {  	s3 =	simm.s32 $0x108;
	s8 =	sld [smem:$0x3FAB]  }
0x2e: {  	s3 =	simm.s32 @!p0 $0x1082;
	s9 =	sld [smem:$0x3FAC]  }
0x2f: {  	lr =	sadd.s32 s0, s3;
	s0 =	sld [smem:$0x3FA3]  }
0x30: {  	s3 =	sld [smem:$0x3FA6]  }
0x31: {  	[smem:$0x3FAF] =	sst s10  }
0x32: {  	s10 =	sld [smem:$0x3FAD];
	_ =	sdelay $0x3  }
0x33: {  	p0 =	seq.s32 s10, $0x1;
	s10 =	sld [smem:$0x3FAF];
	_ =	sdelay $0x3  }
0x34: {  	[smem:$0x3FAF] =	sst s10  }
0x35: {  	s10 =	sld [smem:$0x3FAE];
	_ =	sdelay $0x3  }
0x36: {  	p1 =	seq.s32 s10, $0x1;
	s10 =	sld [smem:$0x3FAF];
	_ =	sdelay $0x3  }
0x37: {  	[smem:$0x3FAF] =	sst s10  }
0x38: {  	s10 =	sld [smem:$0x3FB0]  }
0x39: {  	_ = 	snop;
	(pc) =	sbr.ind lr, $3  }
0x3a: {  	_ = 	snop  }
0x3b: {  	_ = 	snop  }
0x3c: {  	p2 =	seq.s32 s10, $0x1;
	s10 =	sld [smem:$0x3FAF]  }
0x3d: {  	_ =	shalt  }
0x3e: {  	_ =	shalt  }
0x3f: {  	_ =	shalt  }
0x40: {  	_ =	shalt  }
0x41: {  	_ =	shalt  }
0x42: {  	_ =	shalt  }
0x43: {  	_ =	shalt  }
0x44: {  	_ =	shalt  }
0x45: {  	_ =	shalt  }
0x46: {  	_ =	shalt  }
0x47: {  	_ =	shalt  }
0x48: {  	_ =	shalt  }
0x49: {  	_ =	shalt  }
0x4a: {  	_ =	shalt  }
0x4b: {  	_ =	shalt  }
0x4c: {  	_ =	shalt  }
0x4d: {  	_ =	shalt  }
0x4e: {  	_ =	shalt  }
0x4f: {  	_ =	shalt  }
0x50: {  	_ =	shalt  }
0x51: {  	_ =	shalt  }
0x52: {  	_ =	shalt  }
0x53: {  	_ =	shalt  }
0x54: {  	_ =	shalt  }
0x55: {  	_ =	shalt  }
0x56: {  	_ =	shalt  }
0x57: {  	_ =	shalt  }
0x58: {  	_ =	shalt  }
0x59: {  	_ =	shalt  }
0x5a: {  	_ =	shalt  }
0x5b: {  	_ =	shalt  }
0x5c: {  	_ =	shalt  }
0x5d: {  	_ =	shalt  }
0x5e: {  	_ =	shalt  }
0x5f: {  	_ =	shalt  }
0x60: {  	_ =	shalt  }
0x61: {  	_ =	shalt  }
0x62: {  	_ =	shalt  }
0x63: {  	_ =	shalt  }
0x64: {  	_ =	shalt  }
0x65: {  	_ =	shalt  }
0x66: {  	_ =	shalt  }
0x67: {  	_ =	shalt  }
0x68: {  	_ =	shalt  }
0x69: {  	_ =	shalt  }
0x6a: {  	_ =	shalt  }
0x6b: {  	_ =	shalt  }
0x6c: {  	_ =	shalt  }
0x6d: {  	_ =	shalt  }
0x6e: {  	_ =	shalt  }
0x6f: {  	_ =	shalt  }
0x70: {  	_ =	shalt  }
0x71: {  	_ =	shalt  }
0x72: {  	_ =	shalt  }
0x73: {  	_ =	shalt  }
0x74: {  	_ =	shalt  }
0x75: {  	_ =	shalt  }
0x76: {  	_ =	shalt  }
0x77: {  	_ =	shalt  }
0x78: {  	_ =	shalt  }
0x79: {  	_ =	shalt  }
0x7a: {  	_ =	shalt  }
0x7b: {  	_ =	shalt  }
0x7c: {  	_ =	shalt  }
0x7d: {  	_ =	shalt  }
0x7e: {  	_ =	shalt  }
0x7f: {  	_ =	shalt  }
0x80: {  	_ =	shalt  }
0x81: {  	_ =	shalt  }
0x82: {  	_ =	shalt  }
0x83: {  	_ =	shalt  }
0x84: {  	_ =	shalt  }
0x85: {  	_ =	shalt  }
0x86: {  	_ =	shalt  }
0x87: {  	_ =	shalt  }
.Lfunc_end0:
.L_simem_size_0:
called_computation.1_lowered:
.L_overlay_start_0:
0x88: {  	s2 =	sld [smem:$0x3FD9]  }
0x89: {  	s3 =	sld [smem:$0x3FFE];
	_ =	sdelay $0x1  }
0x8a: {  	s1 =	srdreg.scid  }
0x8b: {  	s0 =	sand.u32 $0x1, s1  }
0x8c: {  	s14 =	sshll.u32 s0, $0xA;
	s2 =	sadd.s32 s3, s2  }
0x8d: {  	s2 =	sadd.s32 s2, s14  }
0x8e: {  	[smem:$0x3FBB] =	sst s2  }
0x8f: {  	_ = 	snop  }
0x90: {  	s2 =	sld [smem:$0x3FD0];
	_ =	sdelay $0x2  }
0x91: {  	s15 =	simm.s32 $0xA;
	s4 =	simm.s32 $0x10  }
0x92: {  	[smem:s4], [sflag:s15] =	dma.local [hbm:s2], $0x1  }
0x93: {  	_ =	swait.eq [sflag:s15], $0x1  }
0x94: {  	[sflag:s15] =	ssyncset.done $0x0  }
0x95: {  	s16 =	sld [smem:$0x10];
	[sflag:s15] =	ssyncadd.s32 $0xFFFFFFFF  }
0x96: {  	s17 =	sld [smem:$0x11];
	(tm) =	ssettm $0x1  }
0x97: {  	s18 =	sld [smem:$0x3FFB];
	_ =	sdelay $0x3  }
0x98: {  	_ =	strace s18  }
0x99: {  	s4 =	sld [smem:$0x3FFC];
	_ =	sdelay $0x3  }
0x9a: {  	_ =	strace s4  }
0x9b: {  	s4 =	sld [smem:$0x3FFD];
	_ =	sdelay $0x3  }
0x9c: {  	_ =	strace s4  }
0x9d: {  	_ =	strace $0x8FFFFFFF  }
0x9e: {  	s19 =	sld [smem:$0x3FDB];
	_ =	sdelay $0x1  }
0x9f: {  	s5 =	simm.s32 $_scs_section_size  }
0xa0: {  	s6 =	simm.s32 $_size__tile_overlayer_lowered;
	s7 =	simm.s32 $_tile_overlayer_lowered  }
0xa1: {  	s22 =	simm.s32 $0x1BFF;
	s21 =	sshll.u32 s7, $0x1;
	s4 =	sadd.s32 s5, s19  }
0xa2: {  	s8 =	simm.s32 $0x0;
	s20 =	sshll.u32 s6, $0x1;
	s6 =	sadd.s32 s21, s4  }
0xa3: {  	[timem:s8], [sflag:s22] =	dma.local [hbm:s6], s20  }
0xa4: {  	_ =	swait.ge [sflag:s22], s20  }
0xa5: {  	s5 =	ssub.s32 $0x0, s20;
	[sflag:s22] =	ssyncset.done $0x0  }
0xa6: {  	[sflag:s22] =	ssyncadd.s32 s5;
	_ =	sdelay $0x1  }
0xa7: {  	s23 =	simm.s32 $0x1B8B  }
0xa8: {  	_ =	swait.ge [sflag:s23], $0x1  }
0xa9: {  	[sflag:s23] =	ssyncset.done $0x0  }
0xaa: {  	s25 =	simm.s32 $0x1B8E;
	s24 =	sld [smem:$0x3FFE];
	[sflag:s23] =	ssyncadd.s32 $0xFFFFFFFF  }
0xab: {  	s26 =	simm.s32 $execute0_lowered;
	[smem:$0x3FD2] =	sst s25  }
0xac: {  	s6 =	sshll.u32 s26, $0x1;
	_ =	strace $0x80000049;
	[dreg:$0x1] =	wrdreg $0xFFFFFFFF  }
0xad: {  	s28 =	simm.s32 $_size_execute0_lowered;
	s4 =	sadd.s32 s4, s6;
	[dreg:$0x0] =	wrdreg $0x0  }
0xae: {  	s6 =	sshll.u32 s28, $0x1;
	[dreg:$0x2] =	wrdreg s4  }
0xaf: {  	[dreg:$0x3] =	wrdreg s6  }
0xb0: {  	[dreg:$0x4] =	wrdreg $0xC0  }
0xb1: {  	_ =	task [dreg:s8], $0x5FFFF  }
0xb2: {  	[dreg:$0x1] =	wrdreg $0xFFFFFFFF  }
0xb3: {  	[dreg:$0x0] =	wrdreg $0x60  }
0xb4: {  	[dreg:$0x2] =	wrdreg s24  }
0xb5: {  	[dreg:$0x3] =	wrdreg s16  }
0xb6: {  	[dreg:$0x4] =	wrdreg s17  }
0xb7: {  	[dreg:$0x5] =	wrdreg $0x90000  }
0xb8: {  	[dreg:$0x6] =	wrdreg $0x9  }
0xb9: {  	_ =	task.clear_ibuf [dreg:s8], $0x7FFFF;
	_ =	strace $0x90000049  }
0xba: {  	s29 =	simm.s32 $0x9;
	_ =	strace $0x8000004B  }
0xbb: {  	_ =	swait.ge [sflag:s29], $0x1  }
0xbc: {  	[sflag:s29] =	ssyncadd.s32 $0xFFFFFFFF  }
0xbd: {  	_ =	strace $0x9000004B  }
0xbe: {  	_ =	sfence  }
0xbf: {  	s30 =	sld [smem:$0x0];
	_ =	sdelay $0x2  }
0xc0: {  	s31 =	sshll.u32 s1, $0xD;
	s1 =	sshrl.u32 s1, $0x2  }
0xc1: {  	s3 =	sand.u32 $0x4000, s31;
	s1 =	sadd.s32 s1, s30  }
0xc2: {  	s0 =	sor.u32 s3, s0;
	s1 =	sshll.u32 s1, $0x11  }
0xc3: {  	s0 =	sor.u32 s1, s0  }
0xc4: {  	s0 =	sadd.s32 $0x8F2B, s0  }
0xc5: {  	[sflag:s0] =	ssyncadd.remote.s32 $0x1  }
0xc6: {  	_ =	sfence.sel $0xFFFF  }
0xc7: {  	[dreg:$0x0] =	wrdreg $0xFFFFFFFF;
	(pc) =	sbr.abs _section_cstart, $3  }
0xc8: {  	[dreg:$0x1] =	wrdreg $0xFFFFFFFF  }
0xc9: {  	_ =	task.clear_ibuf [dreg:s8], $0x2FFFF;
	_ =	strace $0x9FFFFFFF  }
0xca: {  	(tm) =	ssettm $0x7FFFFFFF  }
0xcb: {  	_ =	shalt  }
tec
execute0_lowered:
.L_overlay_start_1:
0x0: {  	(tag) =	ssettag $0x1  }
0x1: {  	s5 =	rddreg [dreg:$0x0]  }
0x2: {  	s7 =	rddreg [dreg:$0x1]  }
0x3: {  	s8 =	rddreg [dreg:$0x2];
	s0 =	stileid.u32  }
0x4: {  	s1 =	srdreg.scid;
	s2 =	rddreg [dreg:$0x3]  }
0x5: {  	s3 =	simm.s32 $0x0;
	s14 =	simm.s32 $0x80;
	s15 =	simm.s32 $0x5000  }
0x6: {  	s16 =	simm.s32 $0x1;
	s17 =	simm.s32 $0x0;
	s4 =	smul.u32 $0x13C00, s0  }
0x7: {  	s6 =	sand.u32 $0x1, s1;
	s1 =	rddreg [dreg:$0x4];
	s12 =	smul.u32 $0x4F000, s0  }
0x8: {  	[smem:$0x7FF] =	sst s3;
	s31 =	sshll.u32 s0, $0x6;
	s9 =	smul.u32 $0x13C000, s6  }
0x9: {  	_ =	strace $0x8000004A;
	s11 =	ssub.s32 $0x2, s6;
	s6 =	sshll.u32 s6, $0x4  }
0xa: {  	s10 =	sshrl.u32 s4, $0x3;
	s28 =	sshrl.u32 s11, $0x1;
	s6 =	sor.u32 s0, s6  }
0xb: {  	s29 =	sshrl.u32 s12, $0x2;
	s12 =	simm.s32 $0x2;
	s9 =	sadd.s32 s4, s9  }
0xc: {  	s4 =	sadd.s32 $0x161E00, s5;
	s10 =	sadd.s32 s10, s5;
	s11 =	ssub.s32 s11, s28  }
0xd: {  	s30 =	smul.u32 $0x500, s6;
	s13 =	sadd.s32 s29, s2;
	s9 =	sshrl.u32 s9, $0x3  }
0xe: {  	s6 =	sor.u32 $0x1C02, s31;
	s9 =	sadd.s32 s9, s5;
	s5 =	sadd.s32 $0x2C1800, s10  }
0xf: {  	s7 =	sadd.s32 s7, s30;
	s8 =	sadd.s32 s8, s30;
	s10 =	smax.u32 s11, $0x1  }
0x10: {  	s11 =	sshrl.u32 s13, $0x3;
	s13 =	simm.s32 $0x2800;
	s9 =	sadd.s32 $0x2E9000, s9  }
.LBB2_1:
0x11: {  	[spmem:s11], [sflag:s6] =	dma.local [hbm:s5], $0x2780  }
0x12: {  	_ =	swait.ge [sflag:s12], $0x2780  }
0x13: {  	[sflag:s12] =	ssyncset.done $0x0  }
0x14: {  	[sflag:s12] =	ssyncadd.s32 $0xFFFFD880  }
0x15: {  	[tilespmem:s3], [sflag:$0x2] =	stream.linear.gather [hbm4b:s7+s3], $0x2780, $0x38;
	[tilespmem:$0x1CC00] =	vst v63  }
0x16: {  	_ =	swait.ge [sflag:s12], $0x2780  }
0x17: {  	[sflag:s12] =	ssyncset.done $0x0  }
0x18: {  	[sflag:s12] =	ssyncadd.s32 $0xFFFFD880  }
0x19: {  	[tilespmem:s13], [sflag:$0x2] =	stream.linear.gather [hbm4b:s8+s3], $0x2780, $0x38;
	[tilespmem:$0x1CC00] =	vst v63  }
0x1a: {  	_ =	swait.ge [sflag:s12], $0x2780  }
0x1b: {  	[sflag:s12] =	ssyncset.done $0x0  }
0x1c: {  	[sflag:s12] =	ssyncadd.s32 $0xFFFFD880  }
0x1d: {  	s18 =	simm.s32 $0x0;
	[bflag:$0x0] =	sbarrier.arrive $0xFFFF  }
0x1e: {  	[tilespmem:s15], [sflag:$0x1] =	stream.indirect.gather [hbm4b:s4+s14], $0x80, s18, s14, $0xb8;
	[tilespmem:$0x1CC00] =	vst v63  }
0x1f: {  	_ =	swait.ge [sflag:s16], $0x4000  }
0x20: {  	[sflag:s16] =	ssyncset.done $0x0  }
0x21: {  	s31 =	simm.s32 $0x2800;
	[sflag:s16] =	ssyncadd.s32 $0xFFFFC000  }
0x22: {  	[spmem:s2] =	stream.indirect.scatter.add.f32 [tilespmem:s15], [sflag:$0x2], $0x80, s31, s14, $0xb8;
	[tilespmem:$0x1CC00] =	vst v63  }
0x23: {  	_ =	swait.ge [sflag:s12], $0x4000  }
0x24: {  	s19 =	simm.s32 $0x400;
	s18 =	simm.s32 $0x200;
	[sflag:s12] =	ssyncset.done $0x0  }
.LBB2_2:
0x25: {  	s20 =	sshra.s32 s18, $0x2  }
0x26: {  	[sflag:s12] =	ssyncadd.s32 $0xFFFFC000;
	s18 =	smov.u32 s19;
	s21 =	sadd.s32 $0x200, s19  }
0x27: {  	[tilespmem:s15], [sflag:$0x1] =	stream.indirect.gather [hbm4b:s4+s14], $0x80, s20, s14, $0xb8;
	[tilespmem:$0x1CC00] =	vst v63  }
0x28: {  	p0 =	sne.s32 s19, $0x9C00;
	_ =	swait.ge [sflag:s16], $0x4000  }
.Ltmp0:
0x29: {  	[sflag:s16] =	ssyncset.done $0x0;
	(pc) =	sbr.rel @p0 .LBB2_2-.Ltmp0, $4  }
0x2a: {  	s19 =	sadd.s32 $0x2800, s20;
	[sflag:s16] =	ssyncadd.s32 $0xFFFFC000  }
0x2b: {  	[spmem:s2] =	stream.indirect.scatter.add.f32 [tilespmem:s15], [sflag:$0x2], $0x80, s19, s14, $0xb8;
	[tilespmem:$0x1CC00] =	vst v63  }
0x2c: {  	_ =	swait.ge [sflag:s12], $0x4000  }
0x2d: {  	s19 =	smov.u32 s21;
	[sflag:s12] =	ssyncset.done $0x0  }
0x2e: {  	s18 =	sshra.s32 s18, $0x2;
	[sflag:s12] =	ssyncadd.s32 $0xFFFFC000  }
0x2f: {  	[tilespmem:s15], [sflag:$0x1] =	stream.indirect.gather [hbm4b:s4+s14], $0x80, s18, s14, $0xb8;
	[tilespmem:$0x1CC00] =	vst v63  }
0x30: {  	_ =	swait.ge [sflag:s16], $0x4000  }
0x31: {  	[sflag:s16] =	ssyncset.done $0x0  }
0x32: {  	s18 =	sadd.s32 $0x2800, s18;
	[sflag:s16] =	ssyncadd.s32 $0xFFFFC000  }
0x33: {  	[spmem:s2] =	stream.indirect.scatter.add.f32 [tilespmem:s15], [sflag:$0x2], $0x80, s18, s14, $0xb8;
	[tilespmem:$0x1CC00] =	vst v63  }
0x34: {  	_ =	swait.ge [sflag:s12], $0x4000  }
0x35: {  	s17 =	sadd.s32 $0x1, s17;
	[sflag:s12] =	ssyncset.done $0x0  }
0x36: {  	p0 =	sne.s32 s17, s10;
	[sflag:s12] =	ssyncadd.s32 $0xFFFFC000  }
.Ltmp1:
0x37: {  	[bflag:$0x0] =	sbarrier.arrive $0xFFFF;
	(pc) =	sbr.rel @p0 .LBB2_1-.Ltmp1, $4  }
0x38: {  	[hbm:s9], [sflag:s6] =	dma.local [spmem:s11], $0x2780  }
0x39: {  	_ =	swait.ge [sflag:s12], $0x2780  }
0x3a: {  	[sflag:s12] =	ssyncset.done $0x0  }
0x3b: {  	[sflag:s12] =	ssyncadd.s32 $0xFFFFD880  }
0x3c: {  	_ =	sfence.sel $0x180000  }
0x3d: {  	[bflag:$0x0] =	sbarrier.arrive $0xFFFF  }
0x3e: {  	p0 =	sne.s32 s0, $0x0;
	_ =	strace $0x9000004A  }
0x3f: {  	s0 =	sadd.s32 @!p0 $0x100000, s1;
	[bflag:$0x2] =	sbarrier.arrive $0xFFFF  }
0x40: {  	[sflag:s0] =	ssyncadd.tile.s32 @!p0 $0x1;
	_ =	shalt  }
.Lfunc_end2:
_tile_overlayer_lowered:
.L_overlay_start_2:
0x41: {  	(tag) =	ssettag $0x2  }
0x42: {  	s0 =	rddreg [dreg:$0x0];
	s2 =	stileid.u32  }
0x43: {  	s1 =	rddreg [dreg:$0x1];
	p0 =	sne.s32 s2, $0x0  }
0x44: {  	s3 =	rddreg [dreg:$0x2];
	[bflag:$0x3] =	sbarrier.arrive $0xFFFF;
	s2 =	simm.s32 @!p0 $0x1C02  }
0x45: {  	[timem:s3], [sflag:s2] =	dma.local @!p0 [hbm:s0], s1  }
0x46: {  	s0 =	simm.s32 @!p0 $0x2  }
0x47: {  	_ =	swait.ge @!p0 [sflag:s0], s1  }
0x48: {  	s1 =	ssub.s32 @!p0 $0x0, s1;
	[sflag:s0] =	ssyncset.done @!p0 $0x0  }
0x49: {  	[sflag:s0] =	ssyncadd.s32 @!p0 s1  }
0x4a: {  	[bflag:$0x3] =	sbarrier.arrive $0xFFFF  }
0x4b: {  	_ =	shalt  }

</sc_bundles>
